<compile_context>
chip_gen: v7x
topology: tpu7x:2x2x1
jax: 0.10.2.dev20260603
libtpu: 0.0.44.dev20260713+nightly
codegen_flags: <defaults>
</compile_context>

<pallas_src>
import jax
import jax.numpy as jnp
from jax import lax
from jax.experimental import pallas as pl
from jax.experimental.pallas import tpu as pltpu
from jax.experimental.pallas import tpu_sc as plsc

VOCAB = 21128
HIDDEN = 768
MAX_POS = 512
B = 128
S = 512
LN_EPS = 1e-12

NW = 32
SEQ_PER_W = B // NW
TPW = SEQ_PER_W * S
SCHUNK = 8
NSC = S // SCHUNK
NBUF = 2


def _sc_body(ids_hbm, word_hbm, out_hbm, rows0, rows1, rows2, rows3,
             ids_v, gsem, osem):
    rows = (rows0, rows1, rows2, rows3)
    cid = lax.axis_index("c")
    sid = lax.axis_index("s")
    wid = sid * 2 + cid
    tok0 = wid * TPW

    pltpu.sync_copy(ids_hbm.at[pl.ds(tok0, TPW)], ids_v)

    def issue_gathers(c, buf):
        for b in range(SEQ_PER_W):
            idx = ids_v.at[pl.ds(b * S + c * SCHUNK, SCHUNK)]
            pltpu.async_copy(word_hbm.at[idx], rows[b].at[buf],
                             gsem.at[buf])

    def drain_gathers(buf):
        dummy = word_hbm.at[pl.ds(0, SCHUNK)]
        for b in range(SEQ_PER_W):
            pltpu.make_async_copy(dummy, rows[b].at[buf],
                                  gsem.at[buf]).wait()

    def issue_outs(c, buf):
        for b in range(SEQ_PER_W):
            dst = out_hbm.at[pl.ds(tok0 + b * S + c * SCHUNK, SCHUNK)]
            pltpu.async_copy(rows[b].at[buf], dst, osem.at[buf])

    def drain_outs(buf):
        dummy = word_hbm.at[pl.ds(0, SCHUNK)]
        for b in range(SEQ_PER_W):
            pltpu.make_async_copy(dummy, rows[b].at[buf],
                                  osem.at[buf]).wait()

    issue_gathers(0, 0)

    def chunk_body(c, _):
        buf = lax.rem(c, NBUF)
        obuf = 1 - buf
        drain_gathers(buf)

        @pl.when(c >= 1)
        def _():
            drain_outs(obuf)

        @pl.when(c + 1 < NSC)
        def _():
            issue_gathers(c + 1, obuf)

        issue_outs(c, buf)
        return 0

    lax.fori_loop(0, NSC, chunk_body, 0)
    drain_outs((NSC - 1) % NBUF)


_sc_gather = pl.kernel(
    _sc_body,
    out_type=jax.ShapeDtypeStruct((B * S, HIDDEN), jnp.float32),
    mesh=plsc.VectorSubcoreMesh(core_axis_name="c", subcore_axis_name="s"),
    compiler_params=pltpu.CompilerParams(needs_layout_passes=False),
    scratch_types=[
        pltpu.VMEM((NBUF, SCHUNK, HIDDEN), jnp.float32),
        pltpu.VMEM((NBUF, SCHUNK, HIDDEN), jnp.float32),
        pltpu.VMEM((NBUF, SCHUNK, HIDDEN), jnp.float32),
        pltpu.VMEM((NBUF, SCHUNK, HIDDEN), jnp.float32),
        pltpu.VMEM((TPW,), jnp.int32),
        pltpu.SemaphoreType.DMA((NBUF,)),
        pltpu.SemaphoreType.DMA((NBUF,)),
    ],
)


def _tc_body(emb_ref, ttf_ref, pos_ref, type_ref, gam_ref, bet_ref, o_ref):
    x = emb_ref[0]
    ttf = ttf_ref[0, 0, :]
    d01 = (type_ref[1, :] - type_ref[0, :])[None, :]
    x = x + pos_ref[...] + type_ref[0, :][None, :] + ttf[:, None] * d01
    mean = jnp.mean(x, axis=1, keepdims=True)
    xc = x - mean
    var = jnp.mean(xc * xc, axis=1, keepdims=True)
    y = xc * jax.lax.rsqrt(var + LN_EPS)
    o_ref[0] = y * gam_ref[...] + bet_ref[...]


_tc_ln = pl.pallas_call(
    _tc_body,
    grid=(B,),
    in_specs=[
        pl.BlockSpec((1, S, HIDDEN), lambda i: (i, 0, 0)),
        pl.BlockSpec((1, 1, S), lambda i: (i, 0, 0)),
        pl.BlockSpec((S, HIDDEN), lambda i: (0, 0)),
        pl.BlockSpec((2, HIDDEN), lambda i: (0, 0)),
        pl.BlockSpec((1, HIDDEN), lambda i: (0, 0)),
        pl.BlockSpec((1, HIDDEN), lambda i: (0, 0)),
    ],
    out_specs=pl.BlockSpec((1, S, HIDDEN), lambda i: (i, 0, 0)),
    out_shape=jax.ShapeDtypeStruct((B, S, HIDDEN), jnp.float32),
)


@jax.jit
def kernel(input_ids, token_type_ids, word_embeddings, position_embeddings,
           token_type_embeddings, ln_gamma, ln_beta):
    ids = input_ids.reshape(-1).astype(jnp.int32)
    emb = _sc_gather(ids, word_embeddings)
    ttf = token_type_ids.astype(jnp.float32).reshape(B, 1, S)
    out = _tc_ln(emb.reshape(B, S, HIDDEN), ttf, position_embeddings,
                 token_type_embeddings, ln_gamma.reshape(1, HIDDEN),
                 ln_beta.reshape(1, HIDDEN))
    return out

# --- scband reference (transcript-rebuilt; emitter-appended) ---
"""Pipeline reference for scband-bert-embedding-6476810682545 (READ-ONLY COPY).

The authoritative reference and input builder live on the scoring server;
editing this copy changes nothing except your own understanding.
"""

import jax, jax.numpy as jnp
import numpy as np

VOCAB = 21128
HIDDEN = 768
MAX_POS = 512
TYPE_VOCAB = 2
B, S = 128, 512
LN_EPS = 1e-12

def setup_inputs(seed: int = 0) -> dict:
    key = jax.random.key(seed)
    k1, k2, k3, k4, k5, k6, k7 = jax.random.split(key, 7)
    input_ids = jax.random.randint(k1, (B, S), 0, VOCAB, dtype=jnp.int64 if jax.config.jax_enable_x64 else jnp.int32)
    token_type_ids = jax.random.randint(k2, (B, S), 0, TYPE_VOCAB, dtype=jnp.int64 if jax.config.jax_enable_x64 else jnp.int32)
    word_embeddings = jax.random.normal(k3, (VOCAB, HIDDEN), dtype=jnp.float32) * 0.02
    position_embeddings = jax.random.normal(k4, (MAX_POS, HIDDEN), dtype=jnp.float32) * 0.02
    token_type_embeddings = jax.random.normal(k5, (TYPE_VOCAB, HIDDEN), dtype=jnp.float32) * 0.02
    ln_gamma = jnp.ones((HIDDEN,), dtype=jnp.float32) + jax.random.normal(k6, (HIDDEN,), dtype=jnp.float32) * 0.01
    ln_beta = jax.random.normal(k7, (HIDDEN,), dtype=jnp.float32) * 0.01
    return {
        'input_ids': input_ids,
        'token_type_ids': token_type_ids,
        'word_embeddings': word_embeddings,
        'position_embeddings': position_embeddings,
        'token_type_embeddings': token_type_embeddings,
        'ln_gamma': ln_gamma,
        'ln_beta': ln_beta,
    }

def reference(input_ids, token_type_ids, word_embeddings, position_embeddings, token_type_embeddings, ln_gamma, ln_beta):
    # BERT embeddings: word + position + token_type, then LayerNorm (dropout is no-op in eval)
    seq_len = input_ids.shape[1]
    position_ids = jnp.arange(seq_len)[None, :]  # [1, S]
    we = jnp.take(word_embeddings, input_ids, axis=0)            # [B, S, H]
    pe = jnp.take(position_embeddings, position_ids, axis=0)     # [1, S, H]
    te = jnp.take(token_type_embeddings, token_type_ids, axis=0) # [B, S, H]
    emb = we + pe + te
    mean = jnp.mean(emb, axis=-1, keepdims=True)
    var = jnp.mean(jnp.square(emb - mean), axis=-1, keepdims=True)
    normed = (emb - mean) / jnp.sqrt(var + LN_EPS)
    out = normed * ln_gamma + ln_beta
    return out

if __name__ == "__main__":
    import jax
    _d = setup_inputs()
    print(jax.jit(kernel)(*tuple(_d.values())))

</pallas_src>

<mosaic_0001>
#map = affine_map<(d0, d1) -> (0)>
#map1 = affine_map<(d0, d1) -> (0, 0)>
module attributes {stable_mosaic.version = 14 : i64} {
  func.func @_sc_body(%arg0: i32, %arg1: i32, %arg2: memref<65536xi32, #tpu.memory_space<hbm>>, %arg3: memref<21128x768xf32, #tpu.memory_space<hbm>>, %arg4: memref<65536x768xf32, #tpu.memory_space<hbm>>, %arg5: memref<2x8x768xf32, #tpu.memory_space<vmem>>, %arg6: memref<2x8x768xf32, #tpu.memory_space<vmem>>, %arg7: memref<2x8x768xf32, #tpu.memory_space<vmem>>, %arg8: memref<2x8x768xf32, #tpu.memory_space<vmem>>, %arg9: memref<2048xi32, #tpu.memory_space<vmem>>, %arg10: memref<2x!tpu.dma_semaphore, #tpu.memory_space<semaphore_mem>>, %arg11: memref<2x!tpu.dma_semaphore, #tpu.memory_space<semaphore_mem>>) attributes {dimension_semantics = [#tpu.dimension_semantics<core_parallel>, #tpu.dimension_semantics<subcore_parallel>], iteration_bounds = array<i64: 2, 16>, scalar_prefetch = 0 : i64, scratch_operands = 7 : i64, tpu.core_type = #tpu.core_type<sc_vector_subcore>, window_params = [{transform_indices = #map}, {transform_indices = #map1}, {transform_indices = #map1}]} {
    %mul3A = arith.constant 2 : i32
    %mul3A_0 = arith.muli %arg1, %mul3A : i32
    %add3A = arith.addi %mul3A_0, %arg0 : i32
    %mul3A_1 = arith.constant 2048 : i32
    %mul3A_2 = arith.muli %add3A, %mul3A_1 : i32
    "tpu.region"() ({
      %run_scoped3A = tpu.sem_alloc : memref<!tpu.dma_semaphore, #tpu.memory_space<semaphore_mem>>
      %dma_start3A_131 = tpu.memref_slice %arg2[%mul3A_2] : memref<65536xi32, #tpu.memory_space<hbm>> -> memref<2048xi32, #tpu.memory_space<hbm>>
      %dma_start3A_132 = tpu.memref_slice %arg2[%mul3A_2] : memref<65536xi32, #tpu.memory_space<hbm>> -> memref<2048xi32, #tpu.memory_space<hbm>>
      tpu.enqueue_dma source(%dma_start3A_132 : memref<2048xi32, #tpu.memory_space<hbm>>) target(%arg9 : memref<2048xi32, #tpu.memory_space<vmem>>) target_semaphore(%run_scoped3A : memref<!tpu.dma_semaphore, #tpu.memory_space<semaphore_mem>>)
      %dma_wait3A_133 = tpu.memref_slice %arg2[%mul3A_2] : memref<65536xi32, #tpu.memory_space<hbm>> -> memref<2048xi32, #tpu.memory_space<hbm>>
      %dma_wait3A_134 = tpu.memref_slice %arg2[%mul3A_2] : memref<65536xi32, #tpu.memory_space<hbm>> -> memref<2048xi32, #tpu.memory_space<hbm>>
      tpu.wait_dma2 semaphore(%run_scoped3A : memref<!tpu.dma_semaphore, #tpu.memory_space<semaphore_mem>>) src(%dma_wait3A_134 : memref<2048xi32, #tpu.memory_space<hbm>>) dst(%arg9 : memref<2048xi32, #tpu.memory_space<vmem>>)
      tpu.yield
    }) : () -> ()
    %dma_start3A = arith.constant 0 : i32
    %dma_start3A_3 = arith.constant 0 : i32
    %dma_start3A_4 = arith.constant 0 : i32
    %dma_start3A_5 = arith.constant 0 : i32
    %dma_start3A_6 = tpu.memref_slice %arg5[%dma_start3A, %dma_start3A_4, %dma_start3A_5] : memref<2x8x768xf32, #tpu.memory_space<vmem>> -> memref<1x8x768xf32, #tpu.memory_space<vmem>>
    %dma_start3A_7 = tpu.memref_squeeze %dma_start3A_6 : memref<1x8x768xf32, #tpu.memory_space<vmem>> -> memref<8x768xf32, #tpu.memory_space<vmem>>
    %dma_start3A_8 = arith.constant 0 : i32
    %dma_start3A_9 = tpu.memref_slice %arg9[%dma_start3A_8] : memref<2048xi32, #tpu.memory_space<vmem>> -> memref<8xi32, #tpu.memory_space<vmem>>
    %dma_start3A_10 = arith.constant 0 : i32
    %dma_start3A_11 = arith.constant 0 : i32
    %dma_start3A_12 = tpu.memref_slice %arg3[%dma_start3A_10, %dma_start3A_11] : memref<21128x768xf32, #tpu.memory_space<hbm>> -> memref<21128x768xf32, #tpu.memory_space<hbm>>
    %dma_start3A_13 = tpu.memref_slice %arg10[%dma_start3A_3] : memref<2x!tpu.dma_semaphore, #tpu.memory_space<semaphore_mem>> -> memref<1x!tpu.dma_semaphore, #tpu.memory_space<semaphore_mem>>
    %dma_start3A_14 = tpu.memref_squeeze %dma_start3A_13 : memref<1x!tpu.dma_semaphore, #tpu.memory_space<semaphore_mem>> -> memref<!tpu.dma_semaphore, #tpu.memory_space<semaphore_mem>>
    tpu.enqueue_indirect_dma source(%dma_start3A_12 : memref<21128x768xf32, #tpu.memory_space<hbm>>) target(%dma_start3A_7 : memref<8x768xf32, #tpu.memory_space<vmem>>) offsets(%dma_start3A_9 : memref<8xi32, #tpu.memory_space<vmem>>) semaphore(%dma_start3A_14 : memref<!tpu.dma_semaphore, #tpu.memory_space<semaphore_mem>>)
    %dma_start3A_15 = arith.constant 0 : i32
    %dma_start3A_16 = arith.constant 0 : i32
    %dma_start3A_17 = arith.constant 0 : i32
    %dma_start3A_18 = arith.constant 0 : i32
    %dma_start3A_19 = tpu.memref_slice %arg6[%dma_start3A_15, %dma_start3A_17, %dma_start3A_18] : memref<2x8x768xf32, #tpu.memory_space<vmem>> -> memref<1x8x768xf32, #tpu.memory_space<vmem>>
    %dma_start3A_20 = tpu.memref_squeeze %dma_start3A_19 : memref<1x8x768xf32, #tpu.memory_space<vmem>> -> memref<8x768xf32, #tpu.memory_space<vmem>>
    %dma_start3A_21 = arith.constant 512 : i32
    %dma_start3A_22 = tpu.memref_slice %arg9[%dma_start3A_21] : memref<2048xi32, #tpu.memory_space<vmem>> -> memref<8xi32, #tpu.memory_space<vmem>>
    %dma_start3A_23 = arith.constant 0 : i32
    %dma_start3A_24 = arith.constant 0 : i32
    %dma_start3A_25 = tpu.memref_slice %arg3[%dma_start3A_23, %dma_start3A_24] : memref<21128x768xf32, #tpu.memory_space<hbm>> -> memref<21128x768xf32, #tpu.memory_space<hbm>>
    %dma_start3A_26 = tpu.memref_slice %arg10[%dma_start3A_16] : memref<2x!tpu.dma_semaphore, #tpu.memory_space<semaphore_mem>> -> memref<1x!tpu.dma_semaphore, #tpu.memory_space<semaphore_mem>>
    %dma_start3A_27 = tpu.memref_squeeze %dma_start3A_26 : memref<1x!tpu.dma_semaphore, #tpu.memory_space<semaphore_mem>> -> memref<!tpu.dma_semaphore, #tpu.memory_space<semaphore_mem>>
    tpu.enqueue_indirect_dma source(%dma_start3A_25 : memref<21128x768xf32, #tpu.memory_space<hbm>>) target(%dma_start3A_20 : memref<8x768xf32, #tpu.memory_space<vmem>>) offsets(%dma_start3A_22 : memref<8xi32, #tpu.memory_space<vmem>>) semaphore(%dma_start3A_27 : memref<!tpu.dma_semaphore, #tpu.memory_space<semaphore_mem>>)
    %dma_start3A_28 = arith.constant 0 : i32
    %dma_start3A_29 = arith.constant 0 : i32
    %dma_start3A_30 = arith.constant 0 : i32
    %dma_start3A_31 = arith.constant 0 : i32
    %dma_start3A_32 = tpu.memref_slice %arg7[%dma_start3A_28, %dma_start3A_30, %dma_start3A_31] : memref<2x8x768xf32, #tpu.memory_space<vmem>> -> memref<1x8x768xf32, #tpu.memory_space<vmem>>
    %dma_start3A_33 = tpu.memref_squeeze %dma_start3A_32 : memref<1x8x768xf32, #tpu.memory_space<vmem>> -> memref<8x768xf32, #tpu.memory_space<vmem>>
    %dma_start3A_34 = arith.constant 1024 : i32
    %dma_start3A_35 = tpu.memref_slice %arg9[%dma_start3A_34] : memref<2048xi32, #tpu.memory_space<vmem>> -> memref<8xi32, #tpu.memory_space<vmem>>
    %dma_start3A_36 = arith.constant 0 : i32
    %dma_start3A_37 = arith.constant 0 : i32
    %dma_start3A_38 = tpu.memref_slice %arg3[%dma_start3A_36, %dma_start3A_37] : memref<21128x768xf32, #tpu.memory_space<hbm>> -> memref<21128x768xf32, #tpu.memory_space<hbm>>
    %dma_start3A_39 = tpu.memref_slice %arg10[%dma_start3A_29] : memref<2x!tpu.dma_semaphore, #tpu.memory_space<semaphore_mem>> -> memref<1x!tpu.dma_semaphore, #tpu.memory_space<semaphore_mem>>
    %dma_start3A_40 = tpu.memref_squeeze %dma_start3A_39 : memref<1x!tpu.dma_semaphore, #tpu.memory_space<semaphore_mem>> -> memref<!tpu.dma_semaphore, #tpu.memory_space<semaphore_mem>>
    tpu.enqueue_indirect_dma source(%dma_start3A_38 : memref<21128x768xf32, #tpu.memory_space<hbm>>) target(%dma_start3A_33 : memref<8x768xf32, #tpu.memory_space<vmem>>) offsets(%dma_start3A_35 : memref<8xi32, #tpu.memory_space<vmem>>) semaphore(%dma_start3A_40 : memref<!tpu.dma_semaphore, #tpu.memory_space<semaphore_mem>>)
    %dma_start3A_41 = arith.constant 0 : i32
    %dma_start3A_42 = arith.constant 0 : i32
    %dma_start3A_43 = arith.constant 0 : i32
    %dma_start3A_44 = arith.constant 0 : i32
    %dma_start3A_45 = tpu.memref_slice %arg8[%dma_start3A_41, %dma_start3A_43, %dma_start3A_44] : memref<2x8x768xf32, #tpu.memory_space<vmem>> -> memref<1x8x768xf32, #tpu.memory_space<vmem>>
    %dma_start3A_46 = tpu.memref_squeeze %dma_start3A_45 : memref<1x8x768xf32, #tpu.memory_space<vmem>> -> memref<8x768xf32, #tpu.memory_space<vmem>>
    %dma_start3A_47 = arith.constant 1536 : i32
    %dma_start3A_48 = tpu.memref_slice %arg9[%dma_start3A_47] : memref<2048xi32, #tpu.memory_space<vmem>> -> memref<8xi32, #tpu.memory_space<vmem>>
    %dma_start3A_49 = arith.constant 0 : i32
    %dma_start3A_50 = arith.constant 0 : i32
    %dma_start3A_51 = tpu.memref_slice %arg3[%dma_start3A_49, %dma_start3A_50] : memref<21128x768xf32, #tpu.memory_space<hbm>> -> memref<21128x768xf32, #tpu.memory_space<hbm>>
    %dma_start3A_52 = tpu.memref_slice %arg10[%dma_start3A_42] : memref<2x!tpu.dma_semaphore, #tpu.memory_space<semaphore_mem>> -> memref<1x!tpu.dma_semaphore, #tpu.memory_space<semaphore_mem>>
    %dma_start3A_53 = tpu.memref_squeeze %dma_start3A_52 : memref<1x!tpu.dma_semaphore, #tpu.memory_space<semaphore_mem>> -> memref<!tpu.dma_semaphore, #tpu.memory_space<semaphore_mem>>
    tpu.enqueue_indirect_dma source(%dma_start3A_51 : memref<21128x768xf32, #tpu.memory_space<hbm>>) target(%dma_start3A_46 : memref<8x768xf32, #tpu.memory_space<vmem>>) offsets(%dma_start3A_48 : memref<8xi32, #tpu.memory_space<vmem>>) semaphore(%dma_start3A_53 : memref<!tpu.dma_semaphore, #tpu.memory_space<semaphore_mem>>)
    %scan3A = arith.constant 0 : i32
    %scan3A_54 = arith.constant 0 : i32
    %scan3A_55 = arith.constant 64 : i32
    %scan3A_56 = arith.addi %scan3A_54, %scan3A_55 : i32
    %scan3A_57 = arith.constant 1 : i32
    %scan3A_58 = scf.for %scan3A_131 = %scan3A_54 to %scan3A_56 step %scan3A_57 iter_args(%scan3A_132 = %scan3A) -> (i32)  : i32 {
      %rem3A = arith.constant 2 : i32
      %rem3A_133 = arith.remsi %scan3A_131, %rem3A : i32
      %sub3A = arith.constant 1 : i32
      %sub3A_134 = arith.subi %sub3A, %rem3A_133 : i32
      %dma_wait3A_135 = arith.constant 0 : i32
      %dma_wait3A_136 = arith.constant 0 : i32
      %dma_wait3A_137 = tpu.memref_slice %arg5[%rem3A_133, %dma_wait3A_135, %dma_wait3A_136] : memref<2x8x768xf32, #tpu.memory_space<vmem>> -> memref<1x8x768xf32, #tpu.memory_space<vmem>>
      %dma_wait3A_138 = tpu.memref_squeeze %dma_wait3A_137 : memref<1x8x768xf32, #tpu.memory_space<vmem>> -> memref<8x768xf32, #tpu.memory_space<vmem>>
      %dma_wait3A_139 = arith.constant 0 : i32
      %dma_wait3A_140 = arith.constant 0 : i32
      %dma_wait3A_141 = tpu.memref_slice %arg3[%dma_wait3A_139, %dma_wait3A_140] : memref<21128x768xf32, #tpu.memory_space<hbm>> -> memref<8x768xf32, #tpu.memory_space<hbm>>
      %dma_wait3A_142 = tpu.memref_slice %arg10[%rem3A_133] : memref<2x!tpu.dma_semaphore, #tpu.memory_space<semaphore_mem>> -> memref<1x!tpu.dma_semaphore, #tpu.memory_space<semaphore_mem>>
      %dma_wait3A_143 = tpu.memref_squeeze %dma_wait3A_142 : memref<1x!tpu.dma_semaphore, #tpu.memory_space<semaphore_mem>> -> memref<!tpu.dma_semaphore, #tpu.memory_space<semaphore_mem>>
      %dma_wait3A_144 = arith.constant 0 : i32
      %dma_wait3A_145 = arith.constant 0 : i32
      %dma_wait3A_146 = tpu.memref_slice %arg5[%rem3A_133, %dma_wait3A_144, %dma_wait3A_145] : memref<2x8x768xf32, #tpu.memory_space<vmem>> -> memref<1x8x768xf32, #tpu.memory_space<vmem>>
      %dma_wait3A_147 = tpu.memref_squeeze %dma_wait3A_146 : memref<1x8x768xf32, #tpu.memory_space<vmem>> -> memref<8x768xf32, #tpu.memory_space<vmem>>
      %dma_wait3A_148 = arith.constant 0 : i32
      %dma_wait3A_149 = arith.constant 0 : i32
      %dma_wait3A_150 = tpu.memref_slice %arg3[%dma_wait3A_148, %dma_wait3A_149] : memref<21128x768xf32, #tpu.memory_space<hbm>> -> memref<8x768xf32, #tpu.memory_space<hbm>>
      tpu.wait_dma2 semaphore(%dma_wait3A_143 : memref<!tpu.dma_semaphore, #tpu.memory_space<semaphore_mem>>) src(%dma_wait3A_150 : memref<8x768xf32, #tpu.memory_space<hbm>>) dst(%dma_wait3A_147 : memref<8x768xf32, #tpu.memory_space<vmem>>)
      %dma_wait3A_151 = arith.constant 0 : i32
      %dma_wait3A_152 = arith.constant 0 : i32
      %dma_wait3A_153 = tpu.memref_slice %arg6[%rem3A_133, %dma_wait3A_151, %dma_wait3A_152] : memref<2x8x768xf32, #tpu.memory_space<vmem>> -> memref<1x8x768xf32, #tpu.memory_space<vmem>>
      %dma_wait3A_154 = tpu.memref_squeeze %dma_wait3A_153 : memref<1x8x768xf32, #tpu.memory_space<vmem>> -> memref<8x768xf32, #tpu.memory_space<vmem>>
      %dma_wait3A_155 = arith.constant 0 : i32
      %dma_wait3A_156 = arith.constant 0 : i32
      %dma_wait3A_157 = tpu.memref_slice %arg3[%dma_wait3A_155, %dma_wait3A_156] : memref<21128x768xf32, #tpu.memory_space<hbm>> -> memref<8x768xf32, #tpu.memory_space<hbm>>
      %dma_wait3A_158 = tpu.memref_slice %arg10[%rem3A_133] : memref<2x!tpu.dma_semaphore, #tpu.memory_space<semaphore_mem>> -> memref<1x!tpu.dma_semaphore, #tpu.memory_space<semaphore_mem>>
      %dma_wait3A_159 = tpu.memref_squeeze %dma_wait3A_158 : memref<1x!tpu.dma_semaphore, #tpu.memory_space<semaphore_mem>> -> memref<!tpu.dma_semaphore, #tpu.memory_space<semaphore_mem>>
      %dma_wait3A_160 = arith.constant 0 : i32
      %dma_wait3A_161 = arith.constant 0 : i32
      %dma_wait3A_162 = tpu.memref_slice %arg6[%rem3A_133, %dma_wait3A_160, %dma_wait3A_161] : memref<2x8x768xf32, #tpu.memory_space<vmem>> -> memref<1x8x768xf32, #tpu.memory_space<vmem>>
      %dma_wait3A_163 = tpu.memref_squeeze %dma_wait3A_162 : memref<1x8x768xf32, #tpu.memory_space<vmem>> -> memref<8x768xf32, #tpu.memory_space<vmem>>
      %dma_wait3A_164 = arith.constant 0 : i32
      %dma_wait3A_165 = arith.constant 0 : i32
      %dma_wait3A_166 = tpu.memref_slice %arg3[%dma_wait3A_164, %dma_wait3A_165] : memref<21128x768xf32, #tpu.memory_space<hbm>> -> memref<8x768xf32, #tpu.memory_space<hbm>>
      tpu.wait_dma2 semaphore(%dma_wait3A_159 : memref<!tpu.dma_semaphore, #tpu.memory_space<semaphore_mem>>) src(%dma_wait3A_166 : memref<8x768xf32, #tpu.memory_space<hbm>>) dst(%dma_wait3A_163 : memref<8x768xf32, #tpu.memory_space<vmem>>)
      %dma_wait3A_167 = arith.constant 0 : i32
      %dma_wait3A_168 = arith.constant 0 : i32
      %dma_wait3A_169 = tpu.memref_slice %arg7[%rem3A_133, %dma_wait3A_167, %dma_wait3A_168] : memref<2x8x768xf32, #tpu.memory_space<vmem>> -> memref<1x8x768xf32, #tpu.memory_space<vmem>>
      %dma_wait3A_170 = tpu.memref_squeeze %dma_wait3A_169 : memref<1x8x768xf32, #tpu.memory_space<vmem>> -> memref<8x768xf32, #tpu.memory_space<vmem>>
      %dma_wait3A_171 = arith.constant 0 : i32
      %dma_wait3A_172 = arith.constant 0 : i32
      %dma_wait3A_173 = tpu.memref_slice %arg3[%dma_wait3A_171, %dma_wait3A_172] : memref<21128x768xf32, #tpu.memory_space<hbm>> -> memref<8x768xf32, #tpu.memory_space<hbm>>
      %dma_wait3A_174 = tpu.memref_slice %arg10[%rem3A_133] : memref<2x!tpu.dma_semaphore, #tpu.memory_space<semaphore_mem>> -> memref<1x!tpu.dma_semaphore, #tpu.memory_space<semaphore_mem>>
      %dma_wait3A_175 = tpu.memref_squeeze %dma_wait3A_174 : memref<1x!tpu.dma_semaphore, #tpu.memory_space<semaphore_mem>> -> memref<!tpu.dma_semaphore, #tpu.memory_space<semaphore_mem>>
      %dma_wait3A_176 = arith.constant 0 : i32
      %dma_wait3A_177 = arith.constant 0 : i32
      %dma_wait3A_178 = tpu.memref_slice %arg7[%rem3A_133, %dma_wait3A_176, %dma_wait3A_177] : memref<2x8x768xf32, #tpu.memory_space<vmem>> -> memref<1x8x768xf32, #tpu.memory_space<vmem>>
      %dma_wait3A_179 = tpu.memref_squeeze %dma_wait3A_178 : memref<1x8x768xf32, #tpu.memory_space<vmem>> -> memref<8x768xf32, #tpu.memory_space<vmem>>
      %dma_wait3A_180 = arith.constant 0 : i32
      %dma_wait3A_181 = arith.constant 0 : i32
      %dma_wait3A_182 = tpu.memref_slice %arg3[%dma_wait3A_180, %dma_wait3A_181] : memref<21128x768xf32, #tpu.memory_space<hbm>> -> memref<8x768xf32, #tpu.memory_space<hbm>>
      tpu.wait_dma2 semaphore(%dma_wait3A_175 : memref<!tpu.dma_semaphore, #tpu.memory_space<semaphore_mem>>) src(%dma_wait3A_182 : memref<8x768xf32, #tpu.memory_space<hbm>>) dst(%dma_wait3A_179 : memref<8x768xf32, #tpu.memory_space<vmem>>)
      %dma_wait3A_183 = arith.constant 0 : i32
      %dma_wait3A_184 = arith.constant 0 : i32
      %dma_wait3A_185 = tpu.memref_slice %arg8[%rem3A_133, %dma_wait3A_183, %dma_wait3A_184] : memref<2x8x768xf32, #tpu.memory_space<vmem>> -> memref<1x8x768xf32, #tpu.memory_space<vmem>>
      %dma_wait3A_186 = tpu.memref_squeeze %dma_wait3A_185 : memref<1x8x768xf32, #tpu.memory_space<vmem>> -> memref<8x768xf32, #tpu.memory_space<vmem>>
      %dma_wait3A_187 = arith.constant 0 : i32
      %dma_wait3A_188 = arith.constant 0 : i32
      %dma_wait3A_189 = tpu.memref_slice %arg3[%dma_wait3A_187, %dma_wait3A_188] : memref<21128x768xf32, #tpu.memory_space<hbm>> -> memref<8x768xf32, #tpu.memory_space<hbm>>
      %dma_wait3A_190 = tpu.memref_slice %arg10[%rem3A_133] : memref<2x!tpu.dma_semaphore, #tpu.memory_space<semaphore_mem>> -> memref<1x!tpu.dma_semaphore, #tpu.memory_space<semaphore_mem>>
      %dma_wait3A_191 = tpu.memref_squeeze %dma_wait3A_190 : memref<1x!tpu.dma_semaphore, #tpu.memory_space<semaphore_mem>> -> memref<!tpu.dma_semaphore, #tpu.memory_space<semaphore_mem>>
      %dma_wait3A_192 = arith.constant 0 : i32
      %dma_wait3A_193 = arith.constant 0 : i32
      %dma_wait3A_194 = tpu.memref_slice %arg8[%rem3A_133, %dma_wait3A_192, %dma_wait3A_193] : memref<2x8x768xf32, #tpu.memory_space<vmem>> -> memref<1x8x768xf32, #tpu.memory_space<vmem>>
      %dma_wait3A_195 = tpu.memref_squeeze %dma_wait3A_194 : memref<1x8x768xf32, #tpu.memory_space<vmem>> -> memref<8x768xf32, #tpu.memory_space<vmem>>
      %dma_wait3A_196 = arith.constant 0 : i32
      %dma_wait3A_197 = arith.constant 0 : i32
      %dma_wait3A_198 = tpu.memref_slice %arg3[%dma_wait3A_196, %dma_wait3A_197] : memref<21128x768xf32, #tpu.memory_space<hbm>> -> memref<8x768xf32, #tpu.memory_space<hbm>>
      tpu.wait_dma2 semaphore(%dma_wait3A_191 : memref<!tpu.dma_semaphore, #tpu.memory_space<semaphore_mem>>) src(%dma_wait3A_198 : memref<8x768xf32, #tpu.memory_space<hbm>>) dst(%dma_wait3A_195 : memref<8x768xf32, #tpu.memory_space<vmem>>)
      %ge3A = arith.constant 1 : i32
      %ge3A_199 = arith.cmpi sge, %scan3A_131, %ge3A : i32
      %convert_element_type3A = arith.extui %ge3A_199 : i1 to i32
      %cond3A = arith.constant 0 : i32
      %cond3A_200 = arith.cmpi ne, %convert_element_type3A, %cond3A : i32
      scf.if %cond3A_200 {
        %dma_wait3A_284 = arith.constant 0 : i32
        %dma_wait3A_285 = arith.constant 0 : i32
        %dma_wait3A_286 = tpu.memref_slice %arg5[%sub3A_134, %dma_wait3A_284, %dma_wait3A_285] : memref<2x8x768xf32, #tpu.memory_space<vmem>> -> memref<1x8x768xf32, #tpu.memory_space<vmem>>
        %dma_wait3A_287 = tpu.memref_squeeze %dma_wait3A_286 : memref<1x8x768xf32, #tpu.memory_space<vmem>> -> memref<8x768xf32, #tpu.memory_space<vmem>>
        %dma_wait3A_288 = arith.constant 0 : i32
        %dma_wait3A_289 = arith.constant 0 : i32
        %dma_wait3A_290 = tpu.memref_slice %arg3[%dma_wait3A_288, %dma_wait3A_289] : memref<21128x768xf32, #tpu.memory_space<hbm>> -> memref<8x768xf32, #tpu.memory_space<hbm>>
        %dma_wait3A_291 = tpu.memref_slice %arg11[%sub3A_134] : memref<2x!tpu.dma_semaphore, #tpu.memory_space<semaphore_mem>> -> memref<1x!tpu.dma_semaphore, #tpu.memory_space<semaphore_mem>>
        %dma_wait3A_292 = tpu.memref_squeeze %dma_wait3A_291 : memref<1x!tpu.dma_semaphore, #tpu.memory_space<semaphore_mem>> -> memref<!tpu.dma_semaphore, #tpu.memory_space<semaphore_mem>>
        %dma_wait3A_293 = arith.constant 0 : i32
        %dma_wait3A_294 = arith.constant 0 : i32
        %dma_wait3A_295 = tpu.memref_slice %arg5[%sub3A_134, %dma_wait3A_293, %dma_wait3A_294] : memref<2x8x768xf32, #tpu.memory_space<vmem>> -> memref<1x8x768xf32, #tpu.memory_space<vmem>>
        %dma_wait3A_296 = tpu.memref_squeeze %dma_wait3A_295 : memref<1x8x768xf32, #tpu.memory_space<vmem>> -> memref<8x768xf32, #tpu.memory_space<vmem>>
        %dma_wait3A_297 = arith.constant 0 : i32
        %dma_wait3A_298 = arith.constant 0 : i32
        %dma_wait3A_299 = tpu.memref_slice %arg3[%dma_wait3A_297, %dma_wait3A_298] : memref<21128x768xf32, #tpu.memory_space<hbm>> -> memref<8x768xf32, #tpu.memory_space<hbm>>
        tpu.wait_dma2 semaphore(%dma_wait3A_292 : memref<!tpu.dma_semaphore, #tpu.memory_space<semaphore_mem>>) src(%dma_wait3A_299 : memref<8x768xf32, #tpu.memory_space<hbm>>) dst(%dma_wait3A_296 : memref<8x768xf32, #tpu.memory_space<vmem>>)
        %dma_wait3A_300 = arith.constant 0 : i32
        %dma_wait3A_301 = arith.constant 0 : i32
        %dma_wait3A_302 = tpu.memref_slice %arg6[%sub3A_134, %dma_wait3A_300, %dma_wait3A_301] : memref<2x8x768xf32, #tpu.memory_space<vmem>> -> memref<1x8x768xf32, #tpu.memory_space<vmem>>
        %dma_wait3A_303 = tpu.memref_squeeze %dma_wait3A_302 : memref<1x8x768xf32, #tpu.memory_space<vmem>> -> memref<8x768xf32, #tpu.memory_space<vmem>>
        %dma_wait3A_304 = arith.constant 0 : i32
        %dma_wait3A_305 = arith.constant 0 : i32
        %dma_wait3A_306 = tpu.memref_slice %arg3[%dma_wait3A_304, %dma_wait3A_305] : memref<21128x768xf32, #tpu.memory_space<hbm>> -> memref<8x768xf32, #tpu.memory_space<hbm>>
        %dma_wait3A_307 = tpu.memref_slice %arg11[%sub3A_134] : memref<2x!tpu.dma_semaphore, #tpu.memory_space<semaphore_mem>> -> memref<1x!tpu.dma_semaphore, #tpu.memory_space<semaphore_mem>>
        %dma_wait3A_308 = tpu.memref_squeeze %dma_wait3A_307 : memref<1x!tpu.dma_semaphore, #tpu.memory_space<semaphore_mem>> -> memref<!tpu.dma_semaphore, #tpu.memory_space<semaphore_mem>>
        %dma_wait3A_309 = arith.constant 0 : i32
        %dma_wait3A_310 = arith.constant 0 : i32
        %dma_wait3A_311 = tpu.memref_slice %arg6[%sub3A_134, %dma_wait3A_309, %dma_wait3A_310] : memref<2x8x768xf32, #tpu.memory_space<vmem>> -> memref<1x8x768xf32, #tpu.memory_space<vmem>>
        %dma_wait3A_312 = tpu.memref_squeeze %dma_wait3A_311 : memref<1x8x768xf32, #tpu.memory_space<vmem>> -> memref<8x768xf32, #tpu.memory_space<vmem>>
        %dma_wait3A_313 = arith.constant 0 : i32
        %dma_wait3A_314 = arith.constant 0 : i32
        %dma_wait3A_315 = tpu.memref_slice %arg3[%dma_wait3A_313, %dma_wait3A_314] : memref<21128x768xf32, #tpu.memory_space<hbm>> -> memref<8x768xf32, #tpu.memory_space<hbm>>
        tpu.wait_dma2 semaphore(%dma_wait3A_308 : memref<!tpu.dma_semaphore, #tpu.memory_space<semaphore_mem>>) src(%dma_wait3A_315 : memref<8x768xf32, #tpu.memory_space<hbm>>) dst(%dma_wait3A_312 : memref<8x768xf32, #tpu.memory_space<vmem>>)
        %dma_wait3A_316 = arith.constant 0 : i32
        %dma_wait3A_317 = arith.constant 0 : i32
        %dma_wait3A_318 = tpu.memref_slice %arg7[%sub3A_134, %dma_wait3A_316, %dma_wait3A_317] : memref<2x8x768xf32, #tpu.memory_space<vmem>> -> memref<1x8x768xf32, #tpu.memory_space<vmem>>
        %dma_wait3A_319 = tpu.memref_squeeze %dma_wait3A_318 : memref<1x8x768xf32, #tpu.memory_space<vmem>> -> memref<8x768xf32, #tpu.memory_space<vmem>>
        %dma_wait3A_320 = arith.constant 0 : i32
        %dma_wait3A_321 = arith.constant 0 : i32
        %dma_wait3A_322 = tpu.memref_slice %arg3[%dma_wait3A_320, %dma_wait3A_321] : memref<21128x768xf32, #tpu.memory_space<hbm>> -> memref<8x768xf32, #tpu.memory_space<hbm>>
        %dma_wait3A_323 = tpu.memref_slice %arg11[%sub3A_134] : memref<2x!tpu.dma_semaphore, #tpu.memory_space<semaphore_mem>> -> memref<1x!tpu.dma_semaphore, #tpu.memory_space<semaphore_mem>>
        %dma_wait3A_324 = tpu.memref_squeeze %dma_wait3A_323 : memref<1x!tpu.dma_semaphore, #tpu.memory_space<semaphore_mem>> -> memref<!tpu.dma_semaphore, #tpu.memory_space<semaphore_mem>>
        %dma_wait3A_325 = arith.constant 0 : i32
        %dma_wait3A_326 = arith.constant 0 : i32
        %dma_wait3A_327 = tpu.memref_slice %arg7[%sub3A_134, %dma_wait3A_325, %dma_wait3A_326] : memref<2x8x768xf32, #tpu.memory_space<vmem>> -> memref<1x8x768xf32, #tpu.memory_space<vmem>>
        %dma_wait3A_328 = tpu.memref_squeeze %dma_wait3A_327 : memref<1x8x768xf32, #tpu.memory_space<vmem>> -> memref<8x768xf32, #tpu.memory_space<vmem>>
        %dma_wait3A_329 = arith.constant 0 : i32
        %dma_wait3A_330 = arith.constant 0 : i32
        %dma_wait3A_331 = tpu.memref_slice %arg3[%dma_wait3A_329, %dma_wait3A_330] : memref<21128x768xf32, #tpu.memory_space<hbm>> -> memref<8x768xf32, #tpu.memory_space<hbm>>
        tpu.wait_dma2 semaphore(%dma_wait3A_324 : memref<!tpu.dma_semaphore, #tpu.memory_space<semaphore_mem>>) src(%dma_wait3A_331 : memref<8x768xf32, #tpu.memory_space<hbm>>) dst(%dma_wait3A_328 : memref<8x768xf32, #tpu.memory_space<vmem>>)
        %dma_wait3A_332 = arith.constant 0 : i32
        %dma_wait3A_333 = arith.constant 0 : i32
        %dma_wait3A_334 = tpu.memref_slice %arg8[%sub3A_134, %dma_wait3A_332, %dma_wait3A_333] : memref<2x8x768xf32, #tpu.memory_space<vmem>> -> memref<1x8x768xf32, #tpu.memory_space<vmem>>
        %dma_wait3A_335 = tpu.memref_squeeze %dma_wait3A_334 : memref<1x8x768xf32, #tpu.memory_space<vmem>> -> memref<8x768xf32, #tpu.memory_space<vmem>>
        %dma_wait3A_336 = arith.constant 0 : i32
        %dma_wait3A_337 = arith.constant 0 : i32
        %dma_wait3A_338 = tpu.memref_slice %arg3[%dma_wait3A_336, %dma_wait3A_337] : memref<21128x768xf32, #tpu.memory_space<hbm>> -> memref<8x768xf32, #tpu.memory_space<hbm>>
        %dma_wait3A_339 = tpu.memref_slice %arg11[%sub3A_134] : memref<2x!tpu.dma_semaphore, #tpu.memory_space<semaphore_mem>> -> memref<1x!tpu.dma_semaphore, #tpu.memory_space<semaphore_mem>>
        %dma_wait3A_340 = tpu.memref_squeeze %dma_wait3A_339 : memref<1x!tpu.dma_semaphore, #tpu.memory_space<semaphore_mem>> -> memref<!tpu.dma_semaphore, #tpu.memory_space<semaphore_mem>>
        %dma_wait3A_341 = arith.constant 0 : i32
        %dma_wait3A_342 = arith.constant 0 : i32
        %dma_wait3A_343 = tpu.memref_slice %arg8[%sub3A_134, %dma_wait3A_341, %dma_wait3A_342] : memref<2x8x768xf32, #tpu.memory_space<vmem>> -> memref<1x8x768xf32, #tpu.memory_space<vmem>>
        %dma_wait3A_344 = tpu.memref_squeeze %dma_wait3A_343 : memref<1x8x768xf32, #tpu.memory_space<vmem>> -> memref<8x768xf32, #tpu.memory_space<vmem>>
        %dma_wait3A_345 = arith.constant 0 : i32
        %dma_wait3A_346 = arith.constant 0 : i32
        %dma_wait3A_347 = tpu.memref_slice %arg3[%dma_wait3A_345, %dma_wait3A_346] : memref<21128x768xf32, #tpu.memory_space<hbm>> -> memref<8x768xf32, #tpu.memory_space<hbm>>
        tpu.wait_dma2 semaphore(%dma_wait3A_340 : memref<!tpu.dma_semaphore, #tpu.memory_space<semaphore_mem>>) src(%dma_wait3A_347 : memref<8x768xf32, #tpu.memory_space<hbm>>) dst(%dma_wait3A_344 : memref<8x768xf32, #tpu.memory_space<vmem>>)
      } else {
      }
      %add3A_201 = arith.constant 1 : i32
      %add3A_202 = arith.addi %scan3A_131, %add3A_201 : i32
      %lt3A = arith.constant 64 : i32
      %lt3A_203 = arith.cmpi slt, %add3A_202, %lt3A : i32
      %convert_element_type3A_204 = arith.extui %lt3A_203 : i1 to i32
      %cond3A_205 = arith.constant 0 : i32
      %cond3A_206 = arith.cmpi ne, %convert_element_type3A_204, %cond3A_205 : i32
      scf.if %cond3A_206 {
        %add3A_284 = arith.constant 1 : i32
        %add3A_285 = arith.addi %scan3A_131, %add3A_284 : i32
        %mul3A_286 = arith.constant 8 : i32
        %mul3A_287 = arith.muli %add3A_285, %mul3A_286 : i32
        %add3A_288 = arith.constant 0 : i32
        %add3A_289 = arith.addi %add3A_288, %mul3A_287 : i32
        %dma_start3A_290 = arith.constant 0 : i32
        %dma_start3A_291 = arith.constant 0 : i32
        %dma_start3A_292 = tpu.memref_slice %arg5[%sub3A_134, %dma_start3A_290, %dma_start3A_291] : memref<2x8x768xf32, #tpu.memory_space<vmem>> -> memref<1x8x768xf32, #tpu.memory_space<vmem>>
        %dma_start3A_293 = tpu.memref_squeeze %dma_start3A_292 : memref<1x8x768xf32, #tpu.memory_space<vmem>> -> memref<8x768xf32, #tpu.memory_space<vmem>>
        %dma_start3A_294 = tpu.memref_slice %arg9[%add3A_289] : memref<2048xi32, #tpu.memory_space<vmem>> -> memref<8xi32, #tpu.memory_space<vmem>>
        %dma_start3A_295 = arith.constant 0 : i32
        %dma_start3A_296 = arith.constant 0 : i32
        %dma_start3A_297 = tpu.memref_slice %arg3[%dma_start3A_295, %dma_start3A_296] : memref<21128x768xf32, #tpu.memory_space<hbm>> -> memref<21128x768xf32, #tpu.memory_space<hbm>>
        %dma_start3A_298 = tpu.memref_slice %arg10[%sub3A_134] : memref<2x!tpu.dma_semaphore, #tpu.memory_space<semaphore_mem>> -> memref<1x!tpu.dma_semaphore, #tpu.memory_space<semaphore_mem>>
        %dma_start3A_299 = tpu.memref_squeeze %dma_start3A_298 : memref<1x!tpu.dma_semaphore, #tpu.memory_space<semaphore_mem>> -> memref<!tpu.dma_semaphore, #tpu.memory_space<semaphore_mem>>
        tpu.enqueue_indirect_dma source(%dma_start3A_297 : memref<21128x768xf32, #tpu.memory_space<hbm>>) target(%dma_start3A_293 : memref<8x768xf32, #tpu.memory_space<vmem>>) offsets(%dma_start3A_294 : memref<8xi32, #tpu.memory_space<vmem>>) semaphore(%dma_start3A_299 : memref<!tpu.dma_semaphore, #tpu.memory_space<semaphore_mem>>)
        %mul3A_300 = arith.constant 8 : i32
        %mul3A_301 = arith.muli %add3A_285, %mul3A_300 : i32
        %add3A_302 = arith.constant 512 : i32
        %add3A_303 = arith.addi %add3A_302, %mul3A_301 : i32
        %dma_start3A_304 = arith.constant 0 : i32
        %dma_start3A_305 = arith.constant 0 : i32
        %dma_start3A_306 = tpu.memref_slice %arg6[%sub3A_134, %dma_start3A_304, %dma_start3A_305] : memref<2x8x768xf32, #tpu.memory_space<vmem>> -> memref<1x8x768xf32, #tpu.memory_space<vmem>>
        %dma_start3A_307 = tpu.memref_squeeze %dma_start3A_306 : memref<1x8x768xf32, #tpu.memory_space<vmem>> -> memref<8x768xf32, #tpu.memory_space<vmem>>
        %dma_start3A_308 = tpu.memref_slice %arg9[%add3A_303] : memref<2048xi32, #tpu.memory_space<vmem>> -> memref<8xi32, #tpu.memory_space<vmem>>
        %dma_start3A_309 = arith.constant 0 : i32
        %dma_start3A_310 = arith.constant 0 : i32
        %dma_start3A_311 = tpu.memref_slice %arg3[%dma_start3A_309, %dma_start3A_310] : memref<21128x768xf32, #tpu.memory_space<hbm>> -> memref<21128x768xf32, #tpu.memory_space<hbm>>
        %dma_start3A_312 = tpu.memref_slice %arg10[%sub3A_134] : memref<2x!tpu.dma_semaphore, #tpu.memory_space<semaphore_mem>> -> memref<1x!tpu.dma_semaphore, #tpu.memory_space<semaphore_mem>>
        %dma_start3A_313 = tpu.memref_squeeze %dma_start3A_312 : memref<1x!tpu.dma_semaphore, #tpu.memory_space<semaphore_mem>> -> memref<!tpu.dma_semaphore, #tpu.memory_space<semaphore_mem>>
        tpu.enqueue_indirect_dma source(%dma_start3A_311 : memref<21128x768xf32, #tpu.memory_space<hbm>>) target(%dma_start3A_307 : memref<8x768xf32, #tpu.memory_space<vmem>>) offsets(%dma_start3A_308 : memref<8xi32, #tpu.memory_space<vmem>>) semaphore(%dma_start3A_313 : memref<!tpu.dma_semaphore, #tpu.memory_space<semaphore_mem>>)
        %mul3A_314 = arith.constant 8 : i32
        %mul3A_315 = arith.muli %add3A_285, %mul3A_314 : i32
        %add3A_316 = arith.constant 1024 : i32
        %add3A_317 = arith.addi %add3A_316, %mul3A_315 : i32
        %dma_start3A_318 = arith.constant 0 : i32
        %dma_start3A_319 = arith.constant 0 : i32
        %dma_start3A_320 = tpu.memref_slice %arg7[%sub3A_134, %dma_start3A_318, %dma_start3A_319] : memref<2x8x768xf32, #tpu.memory_space<vmem>> -> memref<1x8x768xf32, #tpu.memory_space<vmem>>
        %dma_start3A_321 = tpu.memref_squeeze %dma_start3A_320 : memref<1x8x768xf32, #tpu.memory_space<vmem>> -> memref<8x768xf32, #tpu.memory_space<vmem>>
        %dma_start3A_322 = tpu.memref_slice %arg9[%add3A_317] : memref<2048xi32, #tpu.memory_space<vmem>> -> memref<8xi32, #tpu.memory_space<vmem>>
        %dma_start3A_323 = arith.constant 0 : i32
        %dma_start3A_324 = arith.constant 0 : i32
        %dma_start3A_325 = tpu.memref_slice %arg3[%dma_start3A_323, %dma_start3A_324] : memref<21128x768xf32, #tpu.memory_space<hbm>> -> memref<21128x768xf32, #tpu.memory_space<hbm>>
        %dma_start3A_326 = tpu.memref_slice %arg10[%sub3A_134] : memref<2x!tpu.dma_semaphore, #tpu.memory_space<semaphore_mem>> -> memref<1x!tpu.dma_semaphore, #tpu.memory_space<semaphore_mem>>
        %dma_start3A_327 = tpu.memref_squeeze %dma_start3A_326 : memref<1x!tpu.dma_semaphore, #tpu.memory_space<semaphore_mem>> -> memref<!tpu.dma_semaphore, #tpu.memory_space<semaphore_mem>>
        tpu.enqueue_indirect_dma source(%dma_start3A_325 : memref<21128x768xf32, #tpu.memory_space<hbm>>) target(%dma_start3A_321 : memref<8x768xf32, #tpu.memory_space<vmem>>) offsets(%dma_start3A_322 : memref<8xi32, #tpu.memory_space<vmem>>) semaphore(%dma_start3A_327 : memref<!tpu.dma_semaphore, #tpu.memory_space<semaphore_mem>>)
        %mul3A_328 = arith.constant 8 : i32
        %mul3A_329 = arith.muli %add3A_285, %mul3A_328 : i32
        %add3A_330 = arith.constant 1536 : i32
        %add3A_331 = arith.addi %add3A_330, %mul3A_329 : i32
        %dma_start3A_332 = arith.constant 0 : i32
        %dma_start3A_333 = arith.constant 0 : i32
        %dma_start3A_334 = tpu.memref_slice %arg8[%sub3A_134, %dma_start3A_332, %dma_start3A_333] : memref<2x8x768xf32, #tpu.memory_space<vmem>> -> memref<1x8x768xf32, #tpu.memory_space<vmem>>
        %dma_start3A_335 = tpu.memref_squeeze %dma_start3A_334 : memref<1x8x768xf32, #tpu.memory_space<vmem>> -> memref<8x768xf32, #tpu.memory_space<vmem>>
        %dma_start3A_336 = tpu.memref_slice %arg9[%add3A_331] : memref<2048xi32, #tpu.memory_space<vmem>> -> memref<8xi32, #tpu.memory_space<vmem>>
        %dma_start3A_337 = arith.constant 0 : i32
        %dma_start3A_338 = arith.constant 0 : i32
        %dma_start3A_339 = tpu.memref_slice %arg3[%dma_start3A_337, %dma_start3A_338] : memref<21128x768xf32, #tpu.memory_space<hbm>> -> memref<21128x768xf32, #tpu.memory_space<hbm>>
        %dma_start3A_340 = tpu.memref_slice %arg10[%sub3A_134] : memref<2x!tpu.dma_semaphore, #tpu.memory_space<semaphore_mem>> -> memref<1x!tpu.dma_semaphore, #tpu.memory_space<semaphore_mem>>
        %dma_start3A_341 = tpu.memref_squeeze %dma_start3A_340 : memref<1x!tpu.dma_semaphore, #tpu.memory_space<semaphore_mem>> -> memref<!tpu.dma_semaphore, #tpu.memory_space<semaphore_mem>>
        tpu.enqueue_indirect_dma source(%dma_start3A_339 : memref<21128x768xf32, #tpu.memory_space<hbm>>) target(%dma_start3A_335 : memref<8x768xf32, #tpu.memory_space<vmem>>) offsets(%dma_start3A_336 : memref<8xi32, #tpu.memory_space<vmem>>) semaphore(%dma_start3A_341 : memref<!tpu.dma_semaphore, #tpu.memory_space<semaphore_mem>>)
      } else {
      }
      %add3A_207 = arith.constant 0 : i32
      %add3A_208 = arith.addi %mul3A_2, %add3A_207 : i32
      %mul3A_209 = arith.constant 8 : i32
      %mul3A_210 = arith.muli %scan3A_131, %mul3A_209 : i32
      %add3A_211 = arith.addi %add3A_208, %mul3A_210 : i32
      %dma_start3A_212 = arith.constant 0 : i32
      %dma_start3A_213 = arith.constant 0 : i32
      %dma_start3A_214 = tpu.memref_slice %arg5[%rem3A_133, %dma_start3A_212, %dma_start3A_213] : memref<2x8x768xf32, #tpu.memory_space<vmem>> -> memref<1x8x768xf32, #tpu.memory_space<vmem>>
      %dma_start3A_215 = tpu.memref_squeeze %dma_start3A_214 : memref<1x8x768xf32, #tpu.memory_space<vmem>> -> memref<8x768xf32, #tpu.memory_space<vmem>>
      %dma_start3A_216 = arith.constant 0 : i32
      %dma_start3A_217 = tpu.memref_slice %arg4[%add3A_211, %dma_start3A_216] : memref<65536x768xf32, #tpu.memory_space<hbm>> -> memref<8x768xf32, #tpu.memory_space<hbm>>
      %dma_start3A_218 = tpu.memref_slice %arg11[%rem3A_133] : memref<2x!tpu.dma_semaphore, #tpu.memory_space<semaphore_mem>> -> memref<1x!tpu.dma_semaphore, #tpu.memory_space<semaphore_mem>>
      %dma_start3A_219 = tpu.memref_squeeze %dma_start3A_218 : memref<1x!tpu.dma_semaphore, #tpu.memory_space<semaphore_mem>> -> memref<!tpu.dma_semaphore, #tpu.memory_space<semaphore_mem>>
      %dma_start3A_220 = arith.constant 0 : i32
      %dma_start3A_221 = tpu.memref_slice %arg4[%add3A_211, %dma_start3A_220] : memref<65536x768xf32, #tpu.memory_space<hbm>> -> memref<8x768xf32, #tpu.memory_space<hbm>>
      %dma_start3A_222 = arith.constant 0 : i32
      %dma_start3A_223 = arith.constant 0 : i32
      %dma_start3A_224 = tpu.memref_slice %arg5[%rem3A_133, %dma_start3A_222, %dma_start3A_223] : memref<2x8x768xf32, #tpu.memory_space<vmem>> -> memref<1x8x768xf32, #tpu.memory_space<vmem>>
      %dma_start3A_225 = tpu.memref_squeeze %dma_start3A_224 : memref<1x8x768xf32, #tpu.memory_space<vmem>> -> memref<8x768xf32, #tpu.memory_space<vmem>>
      tpu.enqueue_dma source(%dma_start3A_225 : memref<8x768xf32, #tpu.memory_space<vmem>>) target(%dma_start3A_221 : memref<8x768xf32, #tpu.memory_space<hbm>>) target_semaphore(%dma_start3A_219 : memref<!tpu.dma_semaphore, #tpu.memory_space<semaphore_mem>>)
      %add3A_226 = arith.constant 512 : i32
      %add3A_227 = arith.addi %mul3A_2, %add3A_226 : i32
      %mul3A_228 = arith.constant 8 : i32
      %mul3A_229 = arith.muli %scan3A_131, %mul3A_228 : i32
      %add3A_230 = arith.addi %add3A_227, %mul3A_229 : i32
      %dma_start3A_231 = arith.constant 0 : i32
      %dma_start3A_232 = arith.constant 0 : i32
      %dma_start3A_233 = tpu.memref_slice %arg6[%rem3A_133, %dma_start3A_231, %dma_start3A_232] : memref<2x8x768xf32, #tpu.memory_space<vmem>> -> memref<1x8x768xf32, #tpu.memory_space<vmem>>
      %dma_start3A_234 = tpu.memref_squeeze %dma_start3A_233 : memref<1x8x768xf32, #tpu.memory_space<vmem>> -> memref<8x768xf32, #tpu.memory_space<vmem>>
      %dma_start3A_235 = arith.constant 0 : i32
      %dma_start3A_236 = tpu.memref_slice %arg4[%add3A_230, %dma_start3A_235] : memref<65536x768xf32, #tpu.memory_space<hbm>> -> memref<8x768xf32, #tpu.memory_space<hbm>>
      %dma_start3A_237 = tpu.memref_slice %arg11[%rem3A_133] : memref<2x!tpu.dma_semaphore, #tpu.memory_space<semaphore_mem>> -> memref<1x!tpu.dma_semaphore, #tpu.memory_space<semaphore_mem>>
      %dma_start3A_238 = tpu.memref_squeeze %dma_start3A_237 : memref<1x!tpu.dma_semaphore, #tpu.memory_space<semaphore_mem>> -> memref<!tpu.dma_semaphore, #tpu.memory_space<semaphore_mem>>
      %dma_start3A_239 = arith.constant 0 : i32
      %dma_start3A_240 = tpu.memref_slice %arg4[%add3A_230, %dma_start3A_239] : memref<65536x768xf32, #tpu.memory_space<hbm>> -> memref<8x768xf32, #tpu.memory_space<hbm>>
      %dma_start3A_241 = arith.constant 0 : i32
      %dma_start3A_242 = arith.constant 0 : i32
      %dma_start3A_243 = tpu.memref_slice %arg6[%rem3A_133, %dma_start3A_241, %dma_start3A_242] : memref<2x8x768xf32, #tpu.memory_space<vmem>> -> memref<1x8x768xf32, #tpu.memory_space<vmem>>
      %dma_start3A_244 = tpu.memref_squeeze %dma_start3A_243 : memref<1x8x768xf32, #tpu.memory_space<vmem>> -> memref<8x768xf32, #tpu.memory_space<vmem>>
      tpu.enqueue_dma source(%dma_start3A_244 : memref<8x768xf32, #tpu.memory_space<vmem>>) target(%dma_start3A_240 : memref<8x768xf32, #tpu.memory_space<hbm>>) target_semaphore(%dma_start3A_238 : memref<!tpu.dma_semaphore, #tpu.memory_space<semaphore_mem>>)
      %add3A_245 = arith.constant 1024 : i32
      %add3A_246 = arith.addi %mul3A_2, %add3A_245 : i32
      %mul3A_247 = arith.constant 8 : i32
      %mul3A_248 = arith.muli %scan3A_131, %mul3A_247 : i32
      %add3A_249 = arith.addi %add3A_246, %mul3A_248 : i32
      %dma_start3A_250 = arith.constant 0 : i32
      %dma_start3A_251 = arith.constant 0 : i32
      %dma_start3A_252 = tpu.memref_slice %arg7[%rem3A_133, %dma_start3A_250, %dma_start3A_251] : memref<2x8x768xf32, #tpu.memory_space<vmem>> -> memref<1x8x768xf32, #tpu.memory_space<vmem>>
      %dma_start3A_253 = tpu.memref_squeeze %dma_start3A_252 : memref<1x8x768xf32, #tpu.memory_space<vmem>> -> memref<8x768xf32, #tpu.memory_space<vmem>>
      %dma_start3A_254 = arith.constant 0 : i32
      %dma_start3A_255 = tpu.memref_slice %arg4[%add3A_249, %dma_start3A_254] : memref<65536x768xf32, #tpu.memory_space<hbm>> -> memref<8x768xf32, #tpu.memory_space<hbm>>
      %dma_start3A_256 = tpu.memref_slice %arg11[%rem3A_133] : memref<2x!tpu.dma_semaphore, #tpu.memory_space<semaphore_mem>> -> memref<1x!tpu.dma_semaphore, #tpu.memory_space<semaphore_mem>>
      %dma_start3A_257 = tpu.memref_squeeze %dma_start3A_256 : memref<1x!tpu.dma_semaphore, #tpu.memory_space<semaphore_mem>> -> memref<!tpu.dma_semaphore, #tpu.memory_space<semaphore_mem>>
      %dma_start3A_258 = arith.constant 0 : i32
      %dma_start3A_259 = tpu.memref_slice %arg4[%add3A_249, %dma_start3A_258] : memref<65536x768xf32, #tpu.memory_space<hbm>> -> memref<8x768xf32, #tpu.memory_space<hbm>>
      %dma_start3A_260 = arith.constant 0 : i32
      %dma_start3A_261 = arith.constant 0 : i32
      %dma_start3A_262 = tpu.memref_slice %arg7[%rem3A_133, %dma_start3A_260, %dma_start3A_261] : memref<2x8x768xf32, #tpu.memory_space<vmem>> -> memref<1x8x768xf32, #tpu.memory_space<vmem>>
      %dma_start3A_263 = tpu.memref_squeeze %dma_start3A_262 : memref<1x8x768xf32, #tpu.memory_space<vmem>> -> memref<8x768xf32, #tpu.memory_space<vmem>>
      tpu.enqueue_dma source(%dma_start3A_263 : memref<8x768xf32, #tpu.memory_space<vmem>>) target(%dma_start3A_259 : memref<8x768xf32, #tpu.memory_space<hbm>>) target_semaphore(%dma_start3A_257 : memref<!tpu.dma_semaphore, #tpu.memory_space<semaphore_mem>>)
      %add3A_264 = arith.constant 1536 : i32
      %add3A_265 = arith.addi %mul3A_2, %add3A_264 : i32
      %mul3A_266 = arith.constant 8 : i32
      %mul3A_267 = arith.muli %scan3A_131, %mul3A_266 : i32
      %add3A_268 = arith.addi %add3A_265, %mul3A_267 : i32
      %dma_start3A_269 = arith.constant 0 : i32
      %dma_start3A_270 = arith.constant 0 : i32
      %dma_start3A_271 = tpu.memref_slice %arg8[%rem3A_133, %dma_start3A_269, %dma_start3A_270] : memref<2x8x768xf32, #tpu.memory_space<vmem>> -> memref<1x8x768xf32, #tpu.memory_space<vmem>>
      %dma_start3A_272 = tpu.memref_squeeze %dma_start3A_271 : memref<1x8x768xf32, #tpu.memory_space<vmem>> -> memref<8x768xf32, #tpu.memory_space<vmem>>
      %dma_start3A_273 = arith.constant 0 : i32
      %dma_start3A_274 = tpu.memref_slice %arg4[%add3A_268, %dma_start3A_273] : memref<65536x768xf32, #tpu.memory_space<hbm>> -> memref<8x768xf32, #tpu.memory_space<hbm>>
      %dma_start3A_275 = tpu.memref_slice %arg11[%rem3A_133] : memref<2x!tpu.dma_semaphore, #tpu.memory_space<semaphore_mem>> -> memref<1x!tpu.dma_semaphore, #tpu.memory_space<semaphore_mem>>
      %dma_start3A_276 = tpu.memref_squeeze %dma_start3A_275 : memref<1x!tpu.dma_semaphore, #tpu.memory_space<semaphore_mem>> -> memref<!tpu.dma_semaphore, #tpu.memory_space<semaphore_mem>>
      %dma_start3A_277 = arith.constant 0 : i32
      %dma_start3A_278 = tpu.memref_slice %arg4[%add3A_268, %dma_start3A_277] : memref<65536x768xf32, #tpu.memory_space<hbm>> -> memref<8x768xf32, #tpu.memory_space<hbm>>
      %dma_start3A_279 = arith.constant 0 : i32
      %dma_start3A_280 = arith.constant 0 : i32
      %dma_start3A_281 = tpu.memref_slice %arg8[%rem3A_133, %dma_start3A_279, %dma_start3A_280] : memref<2x8x768xf32, #tpu.memory_space<vmem>> -> memref<1x8x768xf32, #tpu.memory_space<vmem>>
      %dma_start3A_282 = tpu.memref_squeeze %dma_start3A_281 : memref<1x8x768xf32, #tpu.memory_space<vmem>> -> memref<8x768xf32, #tpu.memory_space<vmem>>
      tpu.enqueue_dma source(%dma_start3A_282 : memref<8x768xf32, #tpu.memory_space<vmem>>) target(%dma_start3A_278 : memref<8x768xf32, #tpu.memory_space<hbm>>) target_semaphore(%dma_start3A_276 : memref<!tpu.dma_semaphore, #tpu.memory_space<semaphore_mem>>)
      %scan3A_283 = arith.constant 0 : i32
      scf.yield %scan3A_283 : i32
    }
    %scan3A_59 = arith.constant 64 : i32
    %dma_wait3A = arith.constant 1 : i32
    %dma_wait3A_60 = arith.constant 1 : i32
    %dma_wait3A_61 = arith.constant 0 : i32
    %dma_wait3A_62 = arith.constant 0 : i32
    %dma_wait3A_63 = tpu.memref_slice %arg5[%dma_wait3A, %dma_wait3A_61, %dma_wait3A_62] : memref<2x8x768xf32, #tpu.memory_space<vmem>> -> memref<1x8x768xf32, #tpu.memory_space<vmem>>
    %dma_wait3A_64 = tpu.memref_squeeze %dma_wait3A_63 : memref<1x8x768xf32, #tpu.memory_space<vmem>> -> memref<8x768xf32, #tpu.memory_space<vmem>>
    %dma_wait3A_65 = arith.constant 0 : i32
    %dma_wait3A_66 = arith.constant 0 : i32
    %dma_wait3A_67 = tpu.memref_slice %arg3[%dma_wait3A_65, %dma_wait3A_66] : memref<21128x768xf32, #tpu.memory_space<hbm>> -> memref<8x768xf32, #tpu.memory_space<hbm>>
    %dma_wait3A_68 = tpu.memref_slice %arg11[%dma_wait3A_60] : memref<2x!tpu.dma_semaphore, #tpu.memory_space<semaphore_mem>> -> memref<1x!tpu.dma_semaphore, #tpu.memory_space<semaphore_mem>>
    %dma_wait3A_69 = tpu.memref_squeeze %dma_wait3A_68 : memref<1x!tpu.dma_semaphore, #tpu.memory_space<semaphore_mem>> -> memref<!tpu.dma_semaphore, #tpu.memory_space<semaphore_mem>>
    %dma_wait3A_70 = arith.constant 0 : i32
    %dma_wait3A_71 = arith.constant 0 : i32
    %dma_wait3A_72 = tpu.memref_slice %arg5[%dma_wait3A, %dma_wait3A_70, %dma_wait3A_71] : memref<2x8x768xf32, #tpu.memory_space<vmem>> -> memref<1x8x768xf32, #tpu.memory_space<vmem>>
    %dma_wait3A_73 = tpu.memref_squeeze %dma_wait3A_72 : memref<1x8x768xf32, #tpu.memory_space<vmem>> -> memref<8x768xf32, #tpu.memory_space<vmem>>
    %dma_wait3A_74 = arith.constant 0 : i32
    %dma_wait3A_75 = arith.constant 0 : i32
    %dma_wait3A_76 = tpu.memref_slice %arg3[%dma_wait3A_74, %dma_wait3A_75] : memref<21128x768xf32, #tpu.memory_space<hbm>> -> memref<8x768xf32, #tpu.memory_space<hbm>>
    tpu.wait_dma2 semaphore(%dma_wait3A_69 : memref<!tpu.dma_semaphore, #tpu.memory_space<semaphore_mem>>) src(%dma_wait3A_76 : memref<8x768xf32, #tpu.memory_space<hbm>>) dst(%dma_wait3A_73 : memref<8x768xf32, #tpu.memory_space<vmem>>)
    %dma_wait3A_77 = arith.constant 1 : i32
    %dma_wait3A_78 = arith.constant 1 : i32
    %dma_wait3A_79 = arith.constant 0 : i32
    %dma_wait3A_80 = arith.constant 0 : i32
    %dma_wait3A_81 = tpu.memref_slice %arg6[%dma_wait3A_77, %dma_wait3A_79, %dma_wait3A_80] : memref<2x8x768xf32, #tpu.memory_space<vmem>> -> memref<1x8x768xf32, #tpu.memory_space<vmem>>
    %dma_wait3A_82 = tpu.memref_squeeze %dma_wait3A_81 : memref<1x8x768xf32, #tpu.memory_space<vmem>> -> memref<8x768xf32, #tpu.memory_space<vmem>>
    %dma_wait3A_83 = arith.constant 0 : i32
    %dma_wait3A_84 = arith.constant 0 : i32
    %dma_wait3A_85 = tpu.memref_slice %arg3[%dma_wait3A_83, %dma_wait3A_84] : memref<21128x768xf32, #tpu.memory_space<hbm>> -> memref<8x768xf32, #tpu.memory_space<hbm>>
    %dma_wait3A_86 = tpu.memref_slice %arg11[%dma_wait3A_78] : memref<2x!tpu.dma_semaphore, #tpu.memory_space<semaphore_mem>> -> memref<1x!tpu.dma_semaphore, #tpu.memory_space<semaphore_mem>>
    %dma_wait3A_87 = tpu.memref_squeeze %dma_wait3A_86 : memref<1x!tpu.dma_semaphore, #tpu.memory_space<semaphore_mem>> -> memref<!tpu.dma_semaphore, #tpu.memory_space<semaphore_mem>>
    %dma_wait3A_88 = arith.constant 0 : i32
    %dma_wait3A_89 = arith.constant 0 : i32
    %dma_wait3A_90 = tpu.memref_slice %arg6[%dma_wait3A_77, %dma_wait3A_88, %dma_wait3A_89] : memref<2x8x768xf32, #tpu.memory_space<vmem>> -> memref<1x8x768xf32, #tpu.memory_space<vmem>>
    %dma_wait3A_91 = tpu.memref_squeeze %dma_wait3A_90 : memref<1x8x768xf32, #tpu.memory_space<vmem>> -> memref<8x768xf32, #tpu.memory_space<vmem>>
    %dma_wait3A_92 = arith.constant 0 : i32
    %dma_wait3A_93 = arith.constant 0 : i32
    %dma_wait3A_94 = tpu.memref_slice %arg3[%dma_wait3A_92, %dma_wait3A_93] : memref<21128x768xf32, #tpu.memory_space<hbm>> -> memref<8x768xf32, #tpu.memory_space<hbm>>
    tpu.wait_dma2 semaphore(%dma_wait3A_87 : memref<!tpu.dma_semaphore, #tpu.memory_space<semaphore_mem>>) src(%dma_wait3A_94 : memref<8x768xf32, #tpu.memory_space<hbm>>) dst(%dma_wait3A_91 : memref<8x768xf32, #tpu.memory_space<vmem>>)
    %dma_wait3A_95 = arith.constant 1 : i32
    %dma_wait3A_96 = arith.constant 1 : i32
    %dma_wait3A_97 = arith.constant 0 : i32
    %dma_wait3A_98 = arith.constant 0 : i32
    %dma_wait3A_99 = tpu.memref_slice %arg7[%dma_wait3A_95, %dma_wait3A_97, %dma_wait3A_98] : memref<2x8x768xf32, #tpu.memory_space<vmem>> -> memref<1x8x768xf32, #tpu.memory_space<vmem>>
    %dma_wait3A_100 = tpu.memref_squeeze %dma_wait3A_99 : memref<1x8x768xf32, #tpu.memory_space<vmem>> -> memref<8x768xf32, #tpu.memory_space<vmem>>
    %dma_wait3A_101 = arith.constant 0 : i32
    %dma_wait3A_102 = arith.constant 0 : i32
    %dma_wait3A_103 = tpu.memref_slice %arg3[%dma_wait3A_101, %dma_wait3A_102] : memref<21128x768xf32, #tpu.memory_space<hbm>> -> memref<8x768xf32, #tpu.memory_space<hbm>>
    %dma_wait3A_104 = tpu.memref_slice %arg11[%dma_wait3A_96] : memref<2x!tpu.dma_semaphore, #tpu.memory_space<semaphore_mem>> -> memref<1x!tpu.dma_semaphore, #tpu.memory_space<semaphore_mem>>
    %dma_wait3A_105 = tpu.memref_squeeze %dma_wait3A_104 : memref<1x!tpu.dma_semaphore, #tpu.memory_space<semaphore_mem>> -> memref<!tpu.dma_semaphore, #tpu.memory_space<semaphore_mem>>
    %dma_wait3A_106 = arith.constant 0 : i32
    %dma_wait3A_107 = arith.constant 0 : i32
    %dma_wait3A_108 = tpu.memref_slice %arg7[%dma_wait3A_95, %dma_wait3A_106, %dma_wait3A_107] : memref<2x8x768xf32, #tpu.memory_space<vmem>> -> memref<1x8x768xf32, #tpu.memory_space<vmem>>
    %dma_wait3A_109 = tpu.memref_squeeze %dma_wait3A_108 : memref<1x8x768xf32, #tpu.memory_space<vmem>> -> memref<8x768xf32, #tpu.memory_space<vmem>>
    %dma_wait3A_110 = arith.constant 0 : i32
    %dma_wait3A_111 = arith.constant 0 : i32
    %dma_wait3A_112 = tpu.memref_slice %arg3[%dma_wait3A_110, %dma_wait3A_111] : memref<21128x768xf32, #tpu.memory_space<hbm>> -> memref<8x768xf32, #tpu.memory_space<hbm>>
    tpu.wait_dma2 semaphore(%dma_wait3A_105 : memref<!tpu.dma_semaphore, #tpu.memory_space<semaphore_mem>>) src(%dma_wait3A_112 : memref<8x768xf32, #tpu.memory_space<hbm>>) dst(%dma_wait3A_109 : memref<8x768xf32, #tpu.memory_space<vmem>>)
    %dma_wait3A_113 = arith.constant 1 : i32
    %dma_wait3A_114 = arith.constant 1 : i32
    %dma_wait3A_115 = arith.constant 0 : i32
    %dma_wait3A_116 = arith.constant 0 : i32
    %dma_wait3A_117 = tpu.memref_slice %arg8[%dma_wait3A_113, %dma_wait3A_115, %dma_wait3A_116] : memref<2x8x768xf32, #tpu.memory_space<vmem>> -> memref<1x8x768xf32, #tpu.memory_space<vmem>>
    %dma_wait3A_118 = tpu.memref_squeeze %dma_wait3A_117 : memref<1x8x768xf32, #tpu.memory_space<vmem>> -> memref<8x768xf32, #tpu.memory_space<vmem>>
    %dma_wait3A_119 = arith.constant 0 : i32
    %dma_wait3A_120 = arith.constant 0 : i32
    %dma_wait3A_121 = tpu.memref_slice %arg3[%dma_wait3A_119, %dma_wait3A_120] : memref<21128x768xf32, #tpu.memory_space<hbm>> -> memref<8x768xf32, #tpu.memory_space<hbm>>
    %dma_wait3A_122 = tpu.memref_slice %arg11[%dma_wait3A_114] : memref<2x!tpu.dma_semaphore, #tpu.memory_space<semaphore_mem>> -> memref<1x!tpu.dma_semaphore, #tpu.memory_space<semaphore_mem>>
    %dma_wait3A_123 = tpu.memref_squeeze %dma_wait3A_122 : memref<1x!tpu.dma_semaphore, #tpu.memory_space<semaphore_mem>> -> memref<!tpu.dma_semaphore, #tpu.memory_space<semaphore_mem>>
    %dma_wait3A_124 = arith.constant 0 : i32
    %dma_wait3A_125 = arith.constant 0 : i32
    %dma_wait3A_126 = tpu.memref_slice %arg8[%dma_wait3A_113, %dma_wait3A_124, %dma_wait3A_125] : memref<2x8x768xf32, #tpu.memory_space<vmem>> -> memref<1x8x768xf32, #tpu.memory_space<vmem>>
    %dma_wait3A_127 = tpu.memref_squeeze %dma_wait3A_126 : memref<1x8x768xf32, #tpu.memory_space<vmem>> -> memref<8x768xf32, #tpu.memory_space<vmem>>
    %dma_wait3A_128 = arith.constant 0 : i32
    %dma_wait3A_129 = arith.constant 0 : i32
    %dma_wait3A_130 = tpu.memref_slice %arg3[%dma_wait3A_128, %dma_wait3A_129] : memref<21128x768xf32, #tpu.memory_space<hbm>> -> memref<8x768xf32, #tpu.memory_space<hbm>>
    tpu.wait_dma2 semaphore(%dma_wait3A_123 : memref<!tpu.dma_semaphore, #tpu.memory_space<semaphore_mem>>) src(%dma_wait3A_130 : memref<8x768xf32, #tpu.memory_space<hbm>>) dst(%dma_wait3A_127 : memref<8x768xf32, #tpu.memory_space<vmem>>)
    return
  }
}

module attributes {stable_mosaic.version = 14 : i64} {
  func.func @_tc_body(%arg0: i32, %arg1: memref<1x512x768xf32, #tpu.memory_space<vmem>>, %arg2: memref<1x1x512xf32, #tpu.memory_space<vmem>>, %arg3: memref<512x768xf32, #tpu.memory_space<vmem>>, %arg4: memref<2x768xf32, #tpu.memory_space<vmem>>, %arg5: memref<1x768xf32, #tpu.memory_space<vmem>>, %arg6: memref<1x768xf32, #tpu.memory_space<vmem>>, %arg7: memref<1x512x768xf32, #tpu.memory_space<vmem>>) attributes {dimension_semantics = [#tpu.dimension_semantics<arbitrary>], iteration_bounds = array<i64: 128>, scalar_prefetch = 0 : i64, scratch_operands = 0 : i64, tpu.core_type = #tpu.core_type<tc>, window_params = [{transform_indices = @transform_0, window_bounds = array<i64: 1, 512, 768>}, {transform_indices = @transform_1, window_bounds = array<i64: 1, 1, 512>}, {pipeline_mode = #tpu.pipeline_mode<synchronous>, transform_indices = @transform_2, window_bounds = array<i64: 512, 768>}, {pipeline_mode = #tpu.pipeline_mode<synchronous>, transform_indices = @transform_3, window_bounds = array<i64: 2, 768>}, {pipeline_mode = #tpu.pipeline_mode<synchronous>, transform_indices = @transform_4, window_bounds = array<i64: 1, 768>}, {pipeline_mode = #tpu.pipeline_mode<synchronous>, transform_indices = @transform_5, window_bounds = array<i64: 1, 768>}, {transform_indices = @transform_6, window_bounds = array<i64: 1, 512, 768>}]} {
    %get3A = arith.constant 0 : index
    %get3A_0 = arith.constant 0 : index
    %get3A_1 = arith.constant 0 : index
    %get3A_2 = vector.load %arg1[%get3A, %get3A_0, %get3A_1] : memref<1x512x768xf32, #tpu.memory_space<vmem>>, vector<1x512x768xf32>
    %get3A_3 = vector.shape_cast %get3A_2 : vector<1x512x768xf32> to vector<512x768xf32>
    %get3A_4 = arith.constant 0 : index
    %get3A_5 = arith.constant 0 : index
    %get3A_6 = arith.constant 0 : index
    %get3A_7 = vector.load %arg2[%get3A_4, %get3A_5, %get3A_6] : memref<1x1x512xf32, #tpu.memory_space<vmem>>, vector<1x1x512xf32>
    %get3A_8 = vector.shape_cast %get3A_7 : vector<1x1x512xf32> to vector<512xf32>
    %get3A_9 = arith.constant 1 : index
    %get3A_10 = arith.constant 0 : index
    %get3A_11 = vector.load %arg4[%get3A_9, %get3A_10] : memref<2x768xf32, #tpu.memory_space<vmem>>, vector<1x768xf32>
    %get3A_12 = vector.shape_cast %get3A_11 : vector<1x768xf32> to vector<768xf32>
    %get3A_13 = arith.constant 0 : index
    %get3A_14 = arith.constant 0 : index
    %get3A_15 = vector.load %arg4[%get3A_13, %get3A_14] : memref<2x768xf32, #tpu.memory_space<vmem>>, vector<1x768xf32>
    %get3A_16 = vector.shape_cast %get3A_15 : vector<1x768xf32> to vector<768xf32>
    %sub3A = arith.subf %get3A_12, %get3A_16 : vector<768xf32>
    %broadcast_in_dim3A = vector.shape_cast %sub3A : vector<768xf32> to vector<1x768xf32>
    %get3A_17 = arith.constant 0 : index
    %get3A_18 = arith.constant 0 : index
    %get3A_19 = vector.load %arg3[%get3A_17, %get3A_18] : memref<512x768xf32, #tpu.memory_space<vmem>>, vector<512x768xf32>
    %add3A = arith.addf %get3A_3, %get3A_19 : vector<512x768xf32>
    %get3A_20 = arith.constant 0 : index
    %get3A_21 = arith.constant 0 : index
    %get3A_22 = vector.load %arg4[%get3A_20, %get3A_21] : memref<2x768xf32, #tpu.memory_space<vmem>>, vector<1x768xf32>
    %get3A_23 = vector.shape_cast %get3A_22 : vector<1x768xf32> to vector<768xf32>
    %broadcast_in_dim3A_24 = vector.shape_cast %get3A_23 : vector<768xf32> to vector<1x768xf32>
    %add3A_25 = vector.broadcast %broadcast_in_dim3A_24 : vector<1x768xf32> to vector<512x768xf32>
    %add3A_26 = arith.addf %add3A, %add3A_25 : vector<512x768xf32>
    %broadcast_in_dim3A_27 = vector.shape_cast %get3A_8 : vector<512xf32> to vector<512x1xf32>
    %mul3A = vector.broadcast %broadcast_in_dim3A_27 : vector<512x1xf32> to vector<512x768xf32>
    %mul3A_28 = vector.broadcast %broadcast_in_dim3A : vector<1x768xf32> to vector<512x768xf32>
    %mul3A_29 = arith.mulf %mul3A, %mul3A_28 : vector<512x768xf32>
    %add3A_30 = arith.addf %add3A_26, %mul3A_29 : vector<512x768xf32>
    %reduce_sum3A = arith.constant dense<0.000000e+00> : vector<512xf32>
    %reduce_sum3A_31 = vector.multi_reduction <add>, %add3A_30, %reduce_sum3A [1] : vector<512x768xf32> to vector<512xf32>
    %broadcast_in_dim3A_32 = vector.shape_cast %reduce_sum3A_31 : vector<512xf32> to vector<512x1xf32>
    %div3A = arith.constant 7.680000e+02 : f32
    %div3A_33 = vector.broadcast %div3A : f32 to vector<512x1xf32>
    %div3A_34 = arith.divf %broadcast_in_dim3A_32, %div3A_33 : vector<512x1xf32>
    %sub3A_35 = vector.broadcast %div3A_34 : vector<512x1xf32> to vector<512x768xf32>
    %sub3A_36 = arith.subf %add3A_30, %sub3A_35 : vector<512x768xf32>
    %mul3A_37 = arith.mulf %sub3A_36, %sub3A_36 : vector<512x768xf32>
    %reduce_sum3A_38 = arith.constant dense<0.000000e+00> : vector<512xf32>
    %reduce_sum3A_39 = vector.multi_reduction <add>, %mul3A_37, %reduce_sum3A_38 [1] : vector<512x768xf32> to vector<512xf32>
    %broadcast_in_dim3A_40 = vector.shape_cast %reduce_sum3A_39 : vector<512xf32> to vector<512x1xf32>
    %div3A_41 = arith.constant 7.680000e+02 : f32
    %div3A_42 = vector.broadcast %div3A_41 : f32 to vector<512x1xf32>
    %div3A_43 = arith.divf %broadcast_in_dim3A_40, %div3A_42 : vector<512x1xf32>
    %add3A_44 = arith.constant 9.99999996E-13 : f32
    %add3A_45 = vector.broadcast %add3A_44 : f32 to vector<512x1xf32>
    %add3A_46 = arith.addf %div3A_43, %add3A_45 : vector<512x1xf32>
    %rsqrt3A = math.rsqrt %add3A_46 : vector<512x1xf32>
    %mul3A_47 = vector.broadcast %rsqrt3A : vector<512x1xf32> to vector<512x768xf32>
    %mul3A_48 = arith.mulf %sub3A_36, %mul3A_47 : vector<512x768xf32>
    %get3A_49 = arith.constant 0 : index
    %get3A_50 = arith.constant 0 : index
    %get3A_51 = vector.load %arg5[%get3A_49, %get3A_50] : memref<1x768xf32, #tpu.memory_space<vmem>>, vector<1x768xf32>
    %mul3A_52 = vector.broadcast %get3A_51 : vector<1x768xf32> to vector<512x768xf32>
    %mul3A_53 = arith.mulf %mul3A_48, %mul3A_52 : vector<512x768xf32>
    %get3A_54 = arith.constant 0 : index
    %get3A_55 = arith.constant 0 : index
    %get3A_56 = vector.load %arg6[%get3A_54, %get3A_55] : memref<1x768xf32, #tpu.memory_space<vmem>>, vector<1x768xf32>
    %add3A_57 = vector.broadcast %get3A_56 : vector<1x768xf32> to vector<512x768xf32>
    %add3A_58 = arith.addf %mul3A_53, %add3A_57 : vector<512x768xf32>
    %swap3A = arith.constant 0 : index
    %swap3A_59 = arith.constant 0 : index
    %swap3A_60 = arith.constant 0 : index
    %swap3A_61 = vector.load %arg7[%swap3A, %swap3A_59, %swap3A_60] : memref<1x512x768xf32, #tpu.memory_space<vmem>>, vector<1x512x768xf32>
    %swap3A_62 = vector.shape_cast %swap3A_61 : vector<1x512x768xf32> to vector<512x768xf32>
    %swap3A_63 = vector.shape_cast %add3A_58 : vector<512x768xf32> to vector<1x512x768xf32>
    tpu.vector_store %arg7[%swap3A, %swap3A_59, %swap3A_60], %swap3A_63 {strides = array<i32>} : memref<1x512x768xf32, #tpu.memory_space<vmem>>, vector<1x512x768xf32>,
    return
  }
  func.func @transform_0(%arg0: i32) -> (i32, i32, i32) {
    %c0_i32 = arith.constant 0 : i32
    %c0_i32_0 = arith.constant 0 : i32
    %c0_i32_1 = arith.constant 0 : i32
    return %arg0, %c0_i32, %c0_i32_0 : i32, i32, i32
  }
  func.func @transform_1(%arg0: i32) -> (i32, i32, i32) {
    %c0_i32 = arith.constant 0 : i32
    %c0_i32_0 = arith.constant 0 : i32
    %c0_i32_1 = arith.constant 0 : i32
    return %arg0, %c0_i32, %c0_i32_0 : i32, i32, i32
  }
  func.func @transform_2(%arg0: i32) -> (i32, i32) {
    %c0_i32 = arith.constant 0 : i32
    %c0_i32_0 = arith.constant 0 : i32
    %c0_i32_1 = arith.constant 0 : i32
    return %c0_i32, %c0_i32_0 : i32, i32
  }
  func.func @transform_3(%arg0: i32) -> (i32, i32) {
    %c0_i32 = arith.constant 0 : i32
    %c0_i32_0 = arith.constant 0 : i32
    %c0_i32_1 = arith.constant 0 : i32
    return %c0_i32, %c0_i32_0 : i32, i32
  }
  func.func @transform_4(%arg0: i32) -> (i32, i32) {
    %c0_i32 = arith.constant 0 : i32
    %c0_i32_0 = arith.constant 0 : i32
    %c0_i32_1 = arith.constant 0 : i32
    return %c0_i32, %c0_i32_0 : i32, i32
  }
  func.func @transform_5(%arg0: i32) -> (i32, i32) {
    %c0_i32 = arith.constant 0 : i32
    %c0_i32_0 = arith.constant 0 : i32
    %c0_i32_1 = arith.constant 0 : i32
    return %c0_i32, %c0_i32_0 : i32, i32
  }
  func.func @transform_6(%arg0: i32) -> (i32, i32, i32) {
    %c0_i32 = arith.constant 0 : i32
    %c0_i32_0 = arith.constant 0 : i32
    %c0_i32_1 = arith.constant 0 : i32
    return %arg0, %c0_i32, %c0_i32_0 : i32, i32, i32
  }
}

</mosaic_0001>

<sc_bundles>
// kernel: kernel.4.cloned.1.call-start
scs
__scs_entry_jumppad:
0x0: {  	(pc) =	sbr.rel $0x88, $3  }
0x1: {  	(tag) =	ssettag $0x0;
	lr =	simm.s32 $0x1  }
0x2: {  	[smem:$0x3F9A] =	sst lr;
	_ =	strace $0xD0000000  }
0x3: {  	_ = 	snop  }
0x4: {  	_ = 	snop  }
0x5: {  	_ = 	snop  }
0x6: {  	_ = 	snop  }
0x7: {  	_ = 	snop  }
__scs_overlays_trampoline_lowered:
0x8: {  	[smem:$0x3FA9] =	sst s0  }
0x9: {  	[smem:$0x3FAA] =	sst s1  }
0xa: {  	[smem:$0x3FAB] =	sst s2  }
0xb: {  	[smem:$0x3FAC] =	sst s3  }
0xc: {  	[smem:$0x3FAD] =	sst s4  }
0xd: {  	[smem:$0x3FAE] =	sst s5  }
0xe: {  	[smem:$0x3FAF] =	sst s6  }
0xf: {  	[smem:$0x3FB0] =	sst s7  }
0x10: {  	[smem:$0x3FB1] =	sst s8  }
0x11: {  	[smem:$0x3FB2] =	sst s9;
	s0 =	simm.s32 @!p0 $0x0  }
0x12: {  	s1 =	sld [smem:$0x3F98];
	s0 =	simm.s32 @p0 $0x1  }
0x13: {  	[smem:$0x3FB3] =	sst s0;
	s0 =	simm.s32 @!p1 $0x0  }
0x14: {  	s2 =	sld [smem:$0x3F97];
	s0 =	simm.s32 @p1 $0x1  }
0x15: {  	[smem:$0x3FB4] =	sst s0;
	s0 =	simm.s32 @!p2 $0x0  }
0x16: {  	s3 =	sld [smem:$0x3FDB];
	s0 =	simm.s32 @p2 $0x1  }
0x17: {  	s4 =	simm.s32 $0x1BF5;
	[smem:$0x3FB6] =	sst s0  }
0x18: {  	s0 =	sld [smem:$0x3F99];
	_ =	swait.ge [sflag:s4], $0x0  }
0x19: {  	s7 =	sld [smem:$0x3F9A]  }
0x1a: {  	s8 =	sadd.s32 $0xFFFFE003, lr  }
0x1b: {  	s9 =	sadd.s32 $0xFFFFFEF7, lr;
	s5 =	simm.s32 $0xFFFFFFFF;
	p2 =	slt.u32 s8, $0xFFFFF086  }
0x1c: {  	p1 =	slt.u32 s9, $0xF7A;
	s5 =	simm.s32 @!p2 $0x0  }
0x1d: {  	s5 =	simm.s32 @p1 $0x1;
	p0 =	seq.s32 s7, s2  }
0x1e: {  	s7 =	smul.u32 @!p0 $0xF7A, s2;
	p2 =	seq.s32 @!p0 s5, $0x0  }
0x1f: {  	s9 =	smul.u32 $0xF7A, s1;
	s8 =	simm.s32 @!p0 $0x1BF5;
	p2 =	por !p2, p0  }
0x20: {  	[sflag:s8] =	ssyncset.s32 @!p0 $0xFFFFF086;
	s6 =	sadd.s32 @!p0 s3, s7;
	s7 =	simm.s32 @!p0 $0x108  }
0x21: {  	s3 =	sadd.s32 s3, s9;
	s6 =	sadd.s32 @!p0 $0x88, s6;
	s7 =	simm.s32 @p2 $0x1082  }
0x22: {  	[simem:s7], [sflag:s8] =	dma.local @!p0 [hbm:s6], $0xF7A  }
0x23: {  	s9 =	sor.u32 $0xD0000000, s2;
	s6 =	simm.s32 $0x108;
	_ =	swait.ge @!p0 [sflag:s8], $0x0  }
0x24: {  	s3 =	sadd.s32 $0x88, s3;
	s6 =	simm.s32 @!p1 $0x1082;
	[sflag:s4] =	ssyncset.s32 $0xFFFFF086  }
0x25: {  	[simem:s6], [sflag:s4] =	dma.local [hbm:s3], $0xF7A  }
0x26: {  	[smem:$0x3F9A] =	sst s1;
	(tag) =	ssettag s2;
	_ =	strace s9  }
0x27: {  	s1 =	sld [smem:$0x3FAA]  }
0x28: {  	s2 =	sld [smem:$0x3FAB]  }
0x29: {  	s4 =	sld [smem:$0x3FAD]  }
0x2a: {  	p0 =	seq.s32 s5, $0x0;
	s5 =	sld [smem:$0x3FAE]  }
0x2b: {  	s6 =	sld [smem:$0x3FAF]  }
0x2c: {  	s7 =	sld [smem:$0x3FB0]  }
0x2d: {  	s3 =	simm.s32 $0x108;
	s8 =	sld [smem:$0x3FB1]  }
0x2e: {  	s3 =	simm.s32 @!p0 $0x1082;
	s9 =	sld [smem:$0x3FB2]  }
0x2f: {  	lr =	sadd.s32 s0, s3;
	s0 =	sld [smem:$0x3FA9]  }
0x30: {  	s3 =	sld [smem:$0x3FAC]  }
0x31: {  	[smem:$0x3FB5] =	sst s10  }
0x32: {  	s10 =	sld [smem:$0x3FB3];
	_ =	sdelay $0x3  }
0x33: {  	p0 =	seq.s32 s10, $0x1;
	s10 =	sld [smem:$0x3FB5];
	_ =	sdelay $0x3  }
0x34: {  	[smem:$0x3FB5] =	sst s10  }
0x35: {  	s10 =	sld [smem:$0x3FB4];
	_ =	sdelay $0x3  }
0x36: {  	p1 =	seq.s32 s10, $0x1;
	s10 =	sld [smem:$0x3FB5];
	_ =	sdelay $0x3  }
0x37: {  	[smem:$0x3FB5] =	sst s10  }
0x38: {  	s10 =	sld [smem:$0x3FB6]  }
0x39: {  	_ = 	snop;
	(pc) =	sbr.ind lr, $3  }
0x3a: {  	_ = 	snop  }
0x3b: {  	_ = 	snop  }
0x3c: {  	p2 =	seq.s32 s10, $0x1;
	s10 =	sld [smem:$0x3FB5]  }
0x3d: {  	_ =	shalt  }
0x3e: {  	_ =	shalt  }
0x3f: {  	_ =	shalt  }
0x40: {  	_ =	shalt  }
0x41: {  	_ =	shalt  }
0x42: {  	_ =	shalt  }
0x43: {  	_ =	shalt  }
0x44: {  	_ =	shalt  }
0x45: {  	_ =	shalt  }
0x46: {  	_ =	shalt  }
0x47: {  	_ =	shalt  }
0x48: {  	_ =	shalt  }
0x49: {  	_ =	shalt  }
0x4a: {  	_ =	shalt  }
0x4b: {  	_ =	shalt  }
0x4c: {  	_ =	shalt  }
0x4d: {  	_ =	shalt  }
0x4e: {  	_ =	shalt  }
0x4f: {  	_ =	shalt  }
0x50: {  	_ =	shalt  }
0x51: {  	_ =	shalt  }
0x52: {  	_ =	shalt  }
0x53: {  	_ =	shalt  }
0x54: {  	_ =	shalt  }
0x55: {  	_ =	shalt  }
0x56: {  	_ =	shalt  }
0x57: {  	_ =	shalt  }
0x58: {  	_ =	shalt  }
0x59: {  	_ =	shalt  }
0x5a: {  	_ =	shalt  }
0x5b: {  	_ =	shalt  }
0x5c: {  	_ =	shalt  }
0x5d: {  	_ =	shalt  }
0x5e: {  	_ =	shalt  }
0x5f: {  	_ =	shalt  }
0x60: {  	_ =	shalt  }
0x61: {  	_ =	shalt  }
0x62: {  	_ =	shalt  }
0x63: {  	_ =	shalt  }
0x64: {  	_ =	shalt  }
0x65: {  	_ =	shalt  }
0x66: {  	_ =	shalt  }
0x67: {  	_ =	shalt  }
0x68: {  	_ =	shalt  }
0x69: {  	_ =	shalt  }
0x6a: {  	_ =	shalt  }
0x6b: {  	_ =	shalt  }
0x6c: {  	_ =	shalt  }
0x6d: {  	_ =	shalt  }
0x6e: {  	_ =	shalt  }
0x6f: {  	_ =	shalt  }
0x70: {  	_ =	shalt  }
0x71: {  	_ =	shalt  }
0x72: {  	_ =	shalt  }
0x73: {  	_ =	shalt  }
0x74: {  	_ =	shalt  }
0x75: {  	_ =	shalt  }
0x76: {  	_ =	shalt  }
0x77: {  	_ =	shalt  }
0x78: {  	_ =	shalt  }
0x79: {  	_ =	shalt  }
0x7a: {  	_ =	shalt  }
0x7b: {  	_ =	shalt  }
0x7c: {  	_ =	shalt  }
0x7d: {  	_ =	shalt  }
0x7e: {  	_ =	shalt  }
0x7f: {  	_ =	shalt  }
0x80: {  	_ =	shalt  }
0x81: {  	_ =	shalt  }
0x82: {  	_ =	shalt  }
0x83: {  	_ =	shalt  }
0x84: {  	_ =	shalt  }
0x85: {  	_ =	shalt  }
0x86: {  	_ =	shalt  }
0x87: {  	_ =	shalt  }
.Lfunc_end0:
.L_simem_size_0:
called_computation_lowered:
.L_overlay_start_0:
0x88: {  	s2 =	sld [smem:$0x3FD9]  }
0x89: {  	s3 =	sld [smem:$0x3FFE];
	_ =	sdelay $0x1  }
0x8a: {  	s1 =	srdreg.scid  }
0x8b: {  	s0 =	sand.u32 $0x1, s1  }
0x8c: {  	s17 =	sshll.u32 s0, $0xA;
	s2 =	sadd.s32 s3, s2  }
0x8d: {  	s2 =	sadd.s32 s2, s17  }
0x8e: {  	[smem:$0x3FC1] =	sst s2  }
0x8f: {  	_ = 	snop  }
0x90: {  	s2 =	sld [smem:$0x3FC7]  }
0x91: {  	s18 =	sld [smem:$0x3FD0];
	(tm) =	ssettm $0x1  }
0x92: {  	s4 =	sld [smem:$0x3FFB];
	_ =	sdelay $0x3  }
0x93: {  	_ =	strace s4  }
0x94: {  	s4 =	sld [smem:$0x3FFC];
	_ =	sdelay $0x3  }
0x95: {  	_ =	strace s4  }
0x96: {  	s4 =	sld [smem:$0x3FFD];
	_ =	sdelay $0x3  }
0x97: {  	_ =	strace s4  }
0x98: {  	_ =	strace $0x8FFFFFFF  }
0x99: {  	s19 =	sld [smem:$0x3FDB];
	_ =	sdelay $0x1  }
0x9a: {  	s5 =	simm.s32 $_scs_section_size  }
0x9b: {  	s6 =	simm.s32 $_size__tile_overlayer_lowered;
	s7 =	simm.s32 $_tile_overlayer_lowered  }
0x9c: {  	s22 =	simm.s32 $0x1BFF;
	s21 =	sshll.u32 s7, $0x1;
	s4 =	sadd.s32 s5, s19  }
0x9d: {  	s8 =	simm.s32 $0x0;
	s20 =	sshll.u32 s6, $0x1;
	s6 =	sadd.s32 s21, s4  }
0x9e: {  	[timem:s8], [sflag:s22] =	dma.local [hbm:s6], s20  }
0x9f: {  	_ =	swait.ge [sflag:s22], s20  }
0xa0: {  	s5 =	ssub.s32 $0x0, s20;
	[sflag:s22] =	ssyncset.done $0x0  }
0xa1: {  	[sflag:s22] =	ssyncadd.s32 s5;
	_ =	sdelay $0x1  }
0xa2: {  	s23 =	simm.s32 $0x1B8B  }
0xa3: {  	_ =	swait.ge [sflag:s23], $0x1  }
0xa4: {  	[sflag:s23] =	ssyncset.done $0x0  }
0xa5: {  	s25 =	simm.s32 $0x1B8E;
	s24 =	sld [smem:$0x3FFE];
	[sflag:s23] =	ssyncadd.s32 $0xFFFFFFFF  }
0xa6: {  	s26 =	simm.s32 $execute0_lowered;
	[smem:$0x3FD2] =	sst s25  }
0xa7: {  	s6 =	sshll.u32 s26, $0x1;
	_ =	strace $0x80000046;
	[dreg:$0x1] =	wrdreg $0xFFFFFFFF  }
0xa8: {  	s28 =	simm.s32 $_size_execute0_lowered;
	s4 =	sadd.s32 s4, s6;
	[dreg:$0x0] =	wrdreg $0x0  }
0xa9: {  	s6 =	sshll.u32 s28, $0x1;
	[dreg:$0x2] =	wrdreg s4  }
0xaa: {  	[dreg:$0x3] =	wrdreg s6  }
0xab: {  	[dreg:$0x4] =	wrdreg $0xC0  }
0xac: {  	_ =	task [dreg:s8], $0x5FFFF  }
0xad: {  	[dreg:$0x1] =	wrdreg $0xFFFFFFFF  }
0xae: {  	[dreg:$0x0] =	wrdreg $0x60  }
0xaf: {  	[dreg:$0x2] =	wrdreg s18  }
0xb0: {  	[dreg:$0x3] =	wrdreg s2  }
0xb1: {  	[dreg:$0x4] =	wrdreg s24  }
0xb2: {  	[dreg:$0x5] =	wrdreg $0x9  }
0xb3: {  	_ =	task.clear_ibuf [dreg:s8], $0x6FFFF;
	_ =	strace $0x90000046  }
0xb4: {  	s29 =	simm.s32 $0x9;
	_ =	strace $0x80000048  }
0xb5: {  	_ =	swait.ge [sflag:s29], $0x1  }
0xb6: {  	[sflag:s29] =	ssyncadd.s32 $0xFFFFFFFF  }
0xb7: {  	_ =	strace $0x90000048  }
0xb8: {  	_ =	sfence  }
0xb9: {  	s30 =	sld [smem:$0x0];
	_ =	sdelay $0x2  }
0xba: {  	s31 =	sshll.u32 s1, $0xD;
	s1 =	sshrl.u32 s1, $0x2  }
0xbb: {  	s3 =	sand.u32 $0x4000, s31;
	s1 =	sadd.s32 s1, s30  }
0xbc: {  	s0 =	sor.u32 s3, s0;
	s1 =	sshll.u32 s1, $0x11  }
0xbd: {  	s0 =	sor.u32 s1, s0  }
0xbe: {  	s0 =	sadd.s32 $0x8F2B, s0  }
0xbf: {  	[sflag:s0] =	ssyncadd.remote.s32 $0x1  }
0xc0: {  	_ =	sfence.sel $0xFFFF  }
0xc1: {  	[dreg:$0x0] =	wrdreg $0xFFFFFFFF;
	(pc) =	sbr.abs _section_cstart, $3  }
0xc2: {  	[dreg:$0x1] =	wrdreg $0xFFFFFFFF  }
0xc3: {  	_ =	task.clear_ibuf [dreg:s8], $0x2FFFF;
	_ =	strace $0x9FFFFFFF  }
0xc4: {  	(tm) =	ssettm $0x7FFFFFFF  }
0xc5: {  	_ =	shalt  }
tec
execute0_lowered:
.L_overlay_start_1:
0x0: {  	(tag) =	ssettag $0x1  }
0x1: {  	s0 =	rddreg [dreg:$0x0]  }
0x2: {  	s1 =	rddreg [dreg:$0x1]  }
0x3: {  	s11 =	rddreg [dreg:$0x2];
	s3 =	simm.s32 $0x0  }
0x4: {  	s4 =	srdreg.scid;
	s2 =	stileid.u32;
	s14 =	simm.s32 $0x5  }
0x5: {  	s16 =	simm.s32 $0x1000;
	s17 =	simm.s32 $0x3000;
	s18 =	simm.s32 $0x3800  }
0x6: {  	s19 =	simm.s32 $0x4000;
	s20 =	simm.s32 $0x6000;
	s21 =	simm.s32 $0x6800  }
0x7: {  	s22 =	simm.s32 $0x7000;
	s23 =	simm.s32 $0x9000;
	s24 =	simm.s32 $0x9800  }
0x8: {  	s25 =	simm.s32 $0xA000;
	s26 =	simm.s32 $0x4;
	s28 =	simm.s32 $0x0  }
0x9: {  	[smem:$0x7FF] =	sst s3;
	s4 =	sand.u32 $0x1, s4;
	s5 =	sshll.u32 s2, $0x9  }
.Ltmp0:
0xa: {  	s8 =	sadd.s32 $0x200, s1;
	s9 =	sadd.s32 $0xCE00, s11;
	(pc) =	sbr.rel .LBB2_1-.Ltmp0, $4  }
0xb: {  	s10 =	sadd.s32 $0x18E00, s11;
	s6 =	ssub.s32 $0x2, s4;
	s4 =	sshll.u32 s4, $0x8  }
0xc: {  	v0 =	vlaneseq.u32;
	_ =	strace $0x80000047;
	s7 =	sshrl.u32 s6, $0x1;
	s4 =	sor.u32 s4, s5  }
0xd: {  	v1 =	vshrl.u32 v0, $0x3;
	s5 =	sadd.s32 $0xE00, s11;
	s11 =	sadd.s32 $0x24E00, s11;
	s12 =	ssub.s32 s6, s7  }
0xe: {  	vm0 =	vmmov $0xffff;
	v0 =	vand.u32 $0x7, v0;
	v1 =	vmul.u32 $0x8, v1;
	s6 =	sadd.s32 s0, s4;
	s7 =	sadd.s32 $0x100, s1;
	s12 =	smax.u32 s12, $0x1  }
.LBB2_5:
0xf: {  	_ =	swait.ge [sflag:s26], $0x1800  }
0x10: {  	[sflag:s26] =	ssyncset.done $0x0  }
0x11: {  	[sflag:s26] =	ssyncadd.s32 $0xFFFFE800  }
0x12: {  	_ =	swait.ge [sflag:s26], $0x1800  }
0x13: {  	[sflag:s26] =	ssyncset.done $0x0  }
0x14: {  	s28 =	sadd.s32 $0x1, s28;
	[sflag:s26] =	ssyncadd.s32 $0xFFFFE800  }
0x15: {  	p0 =	sne.s32 s28, s12;
	_ =	swait.ge [sflag:s26], $0x1800  }
.Ltmp1:
0x16: {  	[sflag:s26] =	ssyncset.done $0x0;
	(pc) =	sbr.rel @!p0 .LBB2_6-.Ltmp1, $4  }
0x17: {  	[sflag:s26] =	ssyncadd.s32 $0xFFFFE800  }
0x18: {  	_ =	swait.ge [sflag:s26], $0x1800  }
0x19: {  	[sflag:s26] =	ssyncset.done $0x0  }
0x1a: {  	[sflag:s26] =	ssyncadd.s32 $0xFFFFE800  }
.LBB2_1:
0x1b: {  	s0 =	simm.s32 $0xC000  }
0x1c: {  	[tilespmem:s0], [sflag:$0x5] =	stream.linear.gather [hbm4b:s6+s3], $0x800, $0x38;
	[tilespmem:$0xC800] =	vst v63  }
0x1d: {  	_ =	swait.ge [sflag:s14], $0x800  }
0x1e: {  	[sflag:s14] =	ssyncset.done $0x0  }
0x1f: {  	[sflag:s14] =	ssyncadd.s32 $0xFFFFF800  }
0x20: {  	v2 =	vld.msk [tilespmem:$0xC000], $0xff;
	_ =	sdelay $0x4  }
0x21: {  	v3 =	vshrl.u32 v2, $0x3  }
0x22: {  	v3 =	vmul.u32 $0x30, v3  }
0x23: {  	v2 =	vand.u32 $0x7, v2  }
0x24: {  	v2 =	vor.u32 v2, v3  }
0x25: {  	v2 =	vperm.xlane v2, v0;
	_ =	sdelay $0x1  }
0x26: {  	v2 =	vadd.s32 v1, v2;
	_ =	sdelay $0x4  }
0x27: {  	[tilespmem:s3], [sflag:$0x1] =	stream.indirect_vreg.gather [hbm4b:s1+s3], $0x80, v2, vm0, $0xb8;
	[tilespmem:$0xC800] =	vst v63  }
0x28: {  	s31 =	simm.s32 $0x800  }
0x29: {  	[tilespmem:s31], [sflag:$0x1] =	stream.indirect_vreg.gather [hbm4b:s7+s3], $0x80, v2, vm0, $0xb8;
	[tilespmem:$0xC800] =	vst v63  }
0x2a: {  	_ = 	snop  }
0x2b: {  	[tilespmem:s16], [sflag:$0x1] =	stream.indirect_vreg.gather [hbm4b:s8+s3], $0x80, v2, vm0, $0xb8;
	[tilespmem:$0xC800] =	vst v63  }
0x2c: {  	v2 =	vld.msk [tilespmem:$0xC200], $0xff;
	_ =	sdelay $0x4  }
0x2d: {  	v3 =	vshrl.u32 v2, $0x3  }
0x2e: {  	v3 =	vmul.u32 $0x30, v3  }
0x2f: {  	v2 =	vand.u32 $0x7, v2  }
0x30: {  	v2 =	vor.u32 v2, v3  }
0x31: {  	v2 =	vperm.xlane v2, v0;
	_ =	sdelay $0x1  }
0x32: {  	v2 =	vadd.s32 v1, v2;
	_ =	sdelay $0x4  }
0x33: {  	[tilespmem:s17], [sflag:$0x1] =	stream.indirect_vreg.gather [hbm4b:s1+s3], $0x80, v2, vm0, $0xb8;
	[tilespmem:$0xC800] =	vst v63  }
0x34: {  	_ = 	snop  }
0x35: {  	[tilespmem:s18], [sflag:$0x1] =	stream.indirect_vreg.gather [hbm4b:s7+s3], $0x80, v2, vm0, $0xb8;
	[tilespmem:$0xC800] =	vst v63  }
0x36: {  	_ = 	snop  }
0x37: {  	[tilespmem:s19], [sflag:$0x1] =	stream.indirect_vreg.gather [hbm4b:s8+s3], $0x80, v2, vm0, $0xb8;
	[tilespmem:$0xC800] =	vst v63  }
0x38: {  	v2 =	vld.msk [tilespmem:$0xC400], $0xff;
	_ =	sdelay $0x4  }
0x39: {  	v3 =	vshrl.u32 v2, $0x3  }
0x3a: {  	v3 =	vmul.u32 $0x30, v3  }
0x3b: {  	v2 =	vand.u32 $0x7, v2  }
0x3c: {  	v2 =	vor.u32 v2, v3  }
0x3d: {  	v2 =	vperm.xlane v2, v0;
	_ =	sdelay $0x1  }
0x3e: {  	v2 =	vadd.s32 v1, v2;
	_ =	sdelay $0x4  }
0x3f: {  	[tilespmem:s20], [sflag:$0x1] =	stream.indirect_vreg.gather [hbm4b:s1+s3], $0x80, v2, vm0, $0xb8;
	[tilespmem:$0xC800] =	vst v63  }
0x40: {  	_ = 	snop  }
0x41: {  	[tilespmem:s21], [sflag:$0x1] =	stream.indirect_vreg.gather [hbm4b:s7+s3], $0x80, v2, vm0, $0xb8;
	[tilespmem:$0xC800] =	vst v63  }
0x42: {  	_ = 	snop  }
0x43: {  	[tilespmem:s22], [sflag:$0x1] =	stream.indirect_vreg.gather [hbm4b:s8+s3], $0x80, v2, vm0, $0xb8;
	[tilespmem:$0xC800] =	vst v63  }
0x44: {  	v2 =	vld.msk [tilespmem:$0xC600], $0xff;
	_ =	sdelay $0x4  }
0x45: {  	v3 =	vshrl.u32 v2, $0x3  }
0x46: {  	v3 =	vmul.u32 $0x30, v3  }
0x47: {  	v2 =	vand.u32 $0x7, v2  }
0x48: {  	v2 =	vor.u32 v2, v3  }
0x49: {  	v2 =	vperm.xlane v2, v0;
	_ =	sdelay $0x1  }
0x4a: {  	v2 =	vadd.s32 v1, v2;
	_ =	sdelay $0x4  }
0x4b: {  	[tilespmem:s23], [sflag:$0x1] =	stream.indirect_vreg.gather [hbm4b:s1+s3], $0x80, v2, vm0, $0xb8;
	[tilespmem:$0xC800] =	vst v63  }
.Ltmp2:
0x4c: {  	_ = 	snop;
	(pc) =	sbr.rel .LBB2_2-.Ltmp2, $4  }
0x4d: {  	_ = 	snop  }
0x4e: {  	[tilespmem:s24], [sflag:$0x1] =	stream.indirect_vreg.gather [hbm4b:s7+s3], $0x80, v2, vm0, $0xb8;
	[tilespmem:$0xC800] =	vst v63  }
0x4f: {  	s29 =	simm.s32 $0x0  }
0x50: {  	[tilespmem:s25], [sflag:$0x1] =	stream.indirect_vreg.gather [hbm4b:s8+s3], $0x80, v2, vm0, $0xb8;
	[tilespmem:$0xC800] =	vst v63  }
.LBB2_4:
0x51: {  	s0 =	sor.u32 s4, s29  }
0x52: {  	s0 =	smul.u32 $0x300, s0  }
0x53: {  	s2 =	smul.u32 $0x1800, s30  }
0x54: {  	s13 =	sadd.s32 $0x3, s30;
	s15 =	sadd.s32 s5, s0  }
0x55: {  	[hbm4b:s15+s3] =	stream.linear.scatter [tilespmem:s2], [sflag:s13], $0x1800, $0x38;
	[tilespmem:$0xC800] =	vst v63  }
0x56: {  	p0 =	slt.u32 s31, $0x40;
	s30 =	sadd.s32 $0x3000, s2;
	s29 =	sadd.s32 s0, s9  }
0x57: {  	[hbm4b:s29+s3] =	stream.linear.scatter [tilespmem:s30], [sflag:s13], $0x1800, $0x38;
	[tilespmem:$0xC800] =	vst v63  }
.Ltmp3:
0x58: {  	_ = 	snop;
	(pc) =	sbr.rel @!p0 .LBB2_5-.Ltmp3, $4  }
0x59: {  	s30 =	sor.u32 $0x6000, s2;
	s29 =	sadd.s32 s0, s10  }
0x5a: {  	[hbm4b:s29+s3] =	stream.linear.scatter [tilespmem:s30], [sflag:s13], $0x1800, $0x38;
	[tilespmem:$0xC800] =	vst v63  }
0x5b: {  	s2 =	sadd.s32 $0x9000, s2;
	s0 =	sadd.s32 s0, s11;
	s29 =	smov.u32 s31  }
0x5c: {  	[hbm4b:s0+s3] =	stream.linear.scatter [tilespmem:s2], [sflag:s13], $0x1800, $0x38;
	[tilespmem:$0xC800] =	vst v63  }
.LBB2_2:
0x5d: {  	s30 =	sand.u32 $0x1, s29  }
0x5e: {  	s31 =	sadd.s32 $0x1, s30  }
0x5f: {  	_ =	swait.ge [sflag:s31], $0x1800  }
0x60: {  	[sflag:s31] =	ssyncset.done $0x0  }
0x61: {  	[sflag:s31] =	ssyncadd.s32 $0xFFFFE800  }
0x62: {  	_ =	swait.ge [sflag:s31], $0x1800  }
0x63: {  	[sflag:s31] =	ssyncset.done $0x0  }
0x64: {  	[sflag:s31] =	ssyncadd.s32 $0xFFFFE800  }
0x65: {  	_ =	swait.ge [sflag:s31], $0x1800  }
0x66: {  	[sflag:s31] =	ssyncset.done $0x0  }
0x67: {  	[sflag:s31] =	ssyncadd.s32 $0xFFFFE800  }
0x68: {  	_ =	swait.ge [sflag:s31], $0x1800  }
0x69: {  	p0 =	seq.s32 s29, $0x0;
	s0 =	sxor.u32 $0x1, s30;
	[sflag:s31] =	ssyncset.done $0x0  }
0x6a: {  	[sflag:s31] =	ssyncadd.s32 $0xFFFFE800;
	s31 =	sadd.s32 @!p0 $0x3, s0  }
0x6b: {  	_ =	swait.ge @!p0 [sflag:s31], $0x1800  }
0x6c: {  	[sflag:s31] =	ssyncset.done @!p0 $0x0  }
0x6d: {  	[sflag:s31] =	ssyncadd.s32 @!p0 $0xFFFFE800  }
0x6e: {  	_ =	swait.ge @!p0 [sflag:s31], $0x1800  }
0x6f: {  	[sflag:s31] =	ssyncset.done @!p0 $0x0  }
0x70: {  	p1 =	seq.s32 @!p0 s29, $0x3F;
	[sflag:s31] =	ssyncadd.s32 @!p0 $0xFFFFE800  }
0x71: {  	p1 =	por p0, !p1;
	_ =	swait.ge @!p0 [sflag:s31], $0x1800  }
.Ltmp4:
0x72: {  	[sflag:s31] =	ssyncset.done @!p0 $0x0;
	(pc) =	sbr.rel @!p1 .LBB2_4-.Ltmp4, $4  }
0x73: {  	[sflag:s31] =	ssyncadd.s32 @!p0 $0xFFFFE800  }
0x74: {  	_ =	swait.ge @!p0 [sflag:s31], $0x1800  }
0x75: {  	[sflag:s31] =	ssyncset.done @!p0 $0x0  }
0x76: {  	[sflag:s31] =	ssyncadd.s32 @!p0 $0xFFFFE800;
	s31 =	simm.s32 @!p0 $0x40  }
0x77: {  	s31 =	sadd.s32 @!p0 $0x1, s29  }
0x78: {  	s31 =	simm.s32 @p0 $0x1  }
0x79: {  	s2 =	sshll.u32 s31, $0x3  }
0x7a: {  	s2 =	sand.u32 $0x3FFFFFF8, s2  }
0x7b: {  	v2 =	vld.msk [tilespmem:s2+$0xC000], $0xff;
	_ =	sdelay $0x4  }
0x7c: {  	v3 =	vshrl.u32 v2, $0x3  }
0x7d: {  	v3 =	vmul.u32 $0x30, v3  }
0x7e: {  	v2 =	vand.u32 $0x7, v2  }
0x7f: {  	v2 =	vor.u32 v2, v3  }
0x80: {  	v2 =	vperm.xlane v2, v0;
	_ =	sdelay $0x1  }
0x81: {  	v2 =	vadd.s32 v1, v2;
	_ =	sdelay $0x2  }
0x82: {  	s13 =	smul.u32 $0x1800, s0  }
0x83: {  	s0 =	sadd.s32 $0x1, s0  }
0x84: {  	[tilespmem:s13], [sflag:s0] =	stream.indirect_vreg.gather [hbm4b:s1+s3], $0x80, v2, vm0, $0xb8;
	[tilespmem:$0xC800] =	vst v63  }
0x85: {  	s15 =	sadd.s32 $0x800, s13  }
0x86: {  	[tilespmem:s15], [sflag:s0] =	stream.indirect_vreg.gather [hbm4b:s7+s3], $0x80, v2, vm0, $0xb8;
	[tilespmem:$0xC800] =	vst v63  }
0x87: {  	s15 =	sadd.s32 $0x1000, s13  }
0x88: {  	[tilespmem:s15], [sflag:s0] =	stream.indirect_vreg.gather [hbm4b:s8+s3], $0x80, v2, vm0, $0xb8;
	[tilespmem:$0xC800] =	vst v63  }
0x89: {  	v2 =	vld.msk [tilespmem:s2+$0xC200], $0xff;
	_ =	sdelay $0x4  }
0x8a: {  	v3 =	vshrl.u32 v2, $0x3  }
0x8b: {  	v3 =	vmul.u32 $0x30, v3  }
0x8c: {  	v2 =	vand.u32 $0x7, v2  }
0x8d: {  	v2 =	vor.u32 v2, v3  }
0x8e: {  	v2 =	vperm.xlane v2, v0;
	_ =	sdelay $0x1  }
0x8f: {  	v2 =	vadd.s32 v1, v2;
	_ =	sdelay $0x3  }
0x90: {  	s15 =	sadd.s32 $0x3000, s13  }
0x91: {  	[tilespmem:s15], [sflag:s0] =	stream.indirect_vreg.gather [hbm4b:s1+s3], $0x80, v2, vm0, $0xb8;
	[tilespmem:$0xC800] =	vst v63  }
0x92: {  	s15 =	sadd.s32 $0x3800, s13  }
0x93: {  	[tilespmem:s15], [sflag:s0] =	stream.indirect_vreg.gather [hbm4b:s7+s3], $0x80, v2, vm0, $0xb8;
	[tilespmem:$0xC800] =	vst v63  }
0x94: {  	s15 =	sor.u32 $0x4000, s13  }
0x95: {  	[tilespmem:s15], [sflag:s0] =	stream.indirect_vreg.gather [hbm4b:s8+s3], $0x80, v2, vm0, $0xb8;
	[tilespmem:$0xC800] =	vst v63  }
0x96: {  	v2 =	vld.msk [tilespmem:s2+$0xC400], $0xff;
	_ =	sdelay $0x4  }
0x97: {  	v3 =	vshrl.u32 v2, $0x3  }
0x98: {  	v3 =	vmul.u32 $0x30, v3  }
0x99: {  	v2 =	vand.u32 $0x7, v2  }
0x9a: {  	v2 =	vor.u32 v2, v3  }
0x9b: {  	v2 =	vperm.xlane v2, v0;
	_ =	sdelay $0x1  }
0x9c: {  	v2 =	vadd.s32 v1, v2;
	_ =	sdelay $0x3  }
0x9d: {  	s15 =	sor.u32 $0x6000, s13  }
0x9e: {  	[tilespmem:s15], [sflag:s0] =	stream.indirect_vreg.gather [hbm4b:s1+s3], $0x80, v2, vm0, $0xb8;
	[tilespmem:$0xC800] =	vst v63  }
0x9f: {  	s15 =	sadd.s32 $0x6800, s13  }
0xa0: {  	[tilespmem:s15], [sflag:s0] =	stream.indirect_vreg.gather [hbm4b:s7+s3], $0x80, v2, vm0, $0xb8;
	[tilespmem:$0xC800] =	vst v63  }
0xa1: {  	s15 =	sadd.s32 $0x7000, s13  }
0xa2: {  	[tilespmem:s15], [sflag:s0] =	stream.indirect_vreg.gather [hbm4b:s8+s3], $0x80, v2, vm0, $0xb8;
	[tilespmem:$0xC800] =	vst v63  }
0xa3: {  	v2 =	vld.msk [tilespmem:s2+$0xC600], $0xff;
	_ =	sdelay $0x4  }
0xa4: {  	v3 =	vshrl.u32 v2, $0x3  }
0xa5: {  	v3 =	vmul.u32 $0x30, v3  }
0xa6: {  	v2 =	vand.u32 $0x7, v2  }
0xa7: {  	v2 =	vor.u32 v2, v3  }
0xa8: {  	v2 =	vperm.xlane v2, v0;
	_ =	sdelay $0x1  }
0xa9: {  	v2 =	vadd.s32 v1, v2;
	_ =	sdelay $0x3  }
0xaa: {  	s15 =	sadd.s32 $0x9000, s13  }
0xab: {  	[tilespmem:s15], [sflag:s0] =	stream.indirect_vreg.gather [hbm4b:s1+s3], $0x80, v2, vm0, $0xb8;
	[tilespmem:$0xC800] =	vst v63  }
.Ltmp5:
0xac: {  	_ = 	snop;
	(pc) =	sbr.rel .LBB2_4-.Ltmp5, $4  }
0xad: {  	s15 =	sadd.s32 $0x9800, s13  }
0xae: {  	[tilespmem:s15], [sflag:s0] =	stream.indirect_vreg.gather [hbm4b:s7+s3], $0x80, v2, vm0, $0xb8;
	[tilespmem:$0xC800] =	vst v63  }
0xaf: {  	s15 =	sor.u32 $0xA000, s13  }
0xb0: {  	[tilespmem:s15], [sflag:s0] =	stream.indirect_vreg.gather [hbm4b:s8+s3], $0x80, v2, vm0, $0xb8;
	[tilespmem:$0xC800] =	vst v63  }
.LBB2_6:
0xb1: {  	_ =	sfence.sel $0x180000  }
0xb2: {  	[bflag:$0x0] =	sbarrier.arrive $0xFFFF  }
0xb3: {  	_ =	strace $0x90000047  }
0xb4: {  	s0 =	stileid.u32;
	[bflag:$0x2] =	sbarrier.arrive $0xFFFF  }
0xb5: {  	p0 =	sne.s32 s0, $0x0;
	s0 =	rddreg [dreg:$0x3]  }
0xb6: {  	s0 =	sadd.s32 @!p0 $0x100000, s0  }
0xb7: {  	[sflag:s0] =	ssyncadd.tile.s32 @!p0 $0x1;
	_ =	shalt  }
.Lfunc_end2:
_tile_overlayer_lowered:
.L_overlay_start_2:
0xb8: {  	(tag) =	ssettag $0x2  }
0xb9: {  	s0 =	rddreg [dreg:$0x0];
	s2 =	stileid.u32  }
0xba: {  	s1 =	rddreg [dreg:$0x1];
	p0 =	sne.s32 s2, $0x0  }
0xbb: {  	s3 =	rddreg [dreg:$0x2];
	[bflag:$0x3] =	sbarrier.arrive $0xFFFF;
	s2 =	simm.s32 @!p0 $0x1C05  }
0xbc: {  	[timem:s3], [sflag:s2] =	dma.local @!p0 [hbm:s0], s1  }
0xbd: {  	s0 =	simm.s32 @!p0 $0x5  }
0xbe: {  	_ =	swait.ge @!p0 [sflag:s0], s1  }
0xbf: {  	s1 =	ssub.s32 @!p0 $0x0, s1;
	[sflag:s0] =	ssyncset.done @!p0 $0x0  }
0xc0: {  	[sflag:s0] =	ssyncadd.s32 @!p0 s1  }
0xc1: {  	[bflag:$0x3] =	sbarrier.arrive $0xFFFF  }
0xc2: {  	_ =	shalt  }

</sc_bundles>
